<compile_context>
chip_gen: v7x
topology: tpu7x:2x2x1
jax: 0.10.2.dev20260603
libtpu: 0.0.44.dev20260713+nightly
codegen_flags: <defaults>
</compile_context>

<pallas_src>
import jax
import jax.numpy as jnp
from jax import lax
from jax.experimental import pallas as pl
from jax.experimental.pallas import tpu as pltpu
from jax.experimental.pallas import tpu_sc as plsc

WORD = 1000000
D = 64
B = 16384
NNEG = 5

NC = 2
NS = 16
NW = NC * NS
BPW = B // NW
CHUNK = 128
NCHUNK = BPW // CHUNK
DV = D // 16


def _sc_body(u_hbm, v_hbm, posu_hbm, posv_hbm, negw_hbm, out1_hbm, out2_hbm,
             uidx, vidx, nidx,
             ubuf0, vbuf0, nbuf00, nbuf01, nbuf02, nbuf03, nbuf04,
             ubuf1, vbuf1, nbuf10, nbuf11, nbuf12, nbuf13, nbuf14,
             accbuf, sem0, sem1):
    wid = lax.axis_index("s") * NC + lax.axis_index("c")
    bufs = [
        (ubuf0, vbuf0, [nbuf00, nbuf01, nbuf02, nbuf03, nbuf04], sem0),
        (ubuf1, vbuf1, [nbuf10, nbuf11, nbuf12, nbuf13, nbuf14], sem1),
    ]

    pltpu.sync_copy(posu_hbm.at[wid], uidx)
    pltpu.sync_copy(posv_hbm.at[wid], vidx)
    pltpu.sync_copy(negw_hbm.at[wid], nidx)

    def fire(c, p):
        ub, vb, nb, sem = bufs[p]
        ds = [pltpu.async_copy(u_hbm.at[uidx.at[c]], ub, sem),
              pltpu.async_copy(v_hbm.at[vidx.at[c]], vb, sem)]
        for n in range(NNEG):
            ds.append(pltpu.async_copy(v_hbm.at[nidx.at[n, c]], nb[n], sem))
        return ds

    def compute(p, accs):
        ub, vb, nb, _ = bufs[p]

        def body(r, a):
            a1, a20, a21, a22, a23, a24 = a
            for q in range(DV):
                s = pl.ds(16 * q, 16)
                u = ub[r, s]
                a1 = a1 + u * vb[r, s]
                a20 = a20 + u * nb[0][r, s]
                a21 = a21 + u * nb[1][r, s]
                a22 = a22 + u * nb[2][r, s]
                a23 = a23 + u * nb[3][r, s]
                a24 = a24 + u * nb[4][r, s]
            return (a1, a20, a21, a22, a23, a24)

        return lax.fori_loop(0, CHUNK, body, accs)

    z = jnp.zeros((16,), jnp.float32)
    accs = (z, z, z, z, z, z)
    inflight = fire(0, 0)
    for c in range(NCHUNK):
        p = c % 2
        for d in inflight:
            d.wait()
        if c + 1 < NCHUNK:
            inflight = fire(c + 1, 1 - p)
        accs = compute(p, accs)

    accbuf[...] = accs[0]
    pltpu.sync_copy(accbuf, out1_hbm.at[wid])
    accbuf[...] = accs[1] + accs[2] + accs[3] + accs[4] + accs[5]
    pltpu.sync_copy(accbuf, out2_hbm.at[wid])


@jax.jit
def _skipgram(u_table, v_table, pos_u, pos_v, neg_w):
    mesh = plsc.VectorSubcoreMesh(core_axis_name="c", subcore_axis_name="s")
    row = pltpu.VMEM((CHUNK, D), jnp.float32)
    f = pl.kernel(
        _sc_body,
        out_type=(
            jax.ShapeDtypeStruct((NW, 16), jnp.float32),
            jax.ShapeDtypeStruct((NW, 16), jnp.float32),
        ),
        mesh=mesh,
        compiler_params=pltpu.CompilerParams(use_tc_tiling_on_sc=False),
        scratch_types=[
            pltpu.VMEM((NCHUNK, CHUNK), jnp.int32),
            pltpu.VMEM((NCHUNK, CHUNK), jnp.int32),
            pltpu.VMEM((NNEG, NCHUNK, CHUNK), jnp.int32),
            row, row, row, row, row, row, row,
            row, row, row, row, row, row, row,
            pltpu.VMEM((16,), jnp.float32),
            pltpu.SemaphoreType.DMA,
            pltpu.SemaphoreType.DMA,
        ],
    )
    out1, out2 = f(u_table, v_table, pos_u, pos_v, neg_w)
    s1 = jnp.sum(out1)
    s2 = jnp.sum(out2)
    return -(jax.nn.log_sigmoid(s1) + jax.nn.log_sigmoid(-s2))


def kernel(u_table, v_table, pos_u, pos_v, neg_v):
    pos_u_w = pos_u.reshape(NW, NCHUNK, CHUNK)
    pos_v_w = pos_v.reshape(NW, NCHUNK, CHUNK)
    neg_w = neg_v.reshape(NW, NCHUNK, CHUNK, NNEG).transpose(0, 3, 1, 2)
    return _skipgram(u_table, v_table, pos_u_w, pos_v_w, neg_w)

# --- scband reference (transcript-rebuilt; emitter-appended) ---
"""Pipeline reference for scband-skip-gram-47631187313356 (READ-ONLY COPY).

The authoritative reference and input builder live on the scoring server;
editing this copy changes nothing except your own understanding.
"""

import jax, jax.numpy as jnp
import numpy as np

WORD_SIZE = 1000000
EMB_DIM = 64
BATCH = 16384
NUM_NEG = 5


def setup_inputs(seed: int = 0) -> dict:
    key = jax.random.key(seed)
    k1, k2, k3, k4, k5 = jax.random.split(key, 5)
    pos_u = jax.random.randint(k1, (BATCH,), 0, WORD_SIZE, dtype=jnp.int64 if jax.config.jax_enable_x64 else jnp.int32).astype(jnp.int32)
    pos_v = jax.random.randint(k2, (BATCH,), 0, WORD_SIZE).astype(jnp.int32)
    neg_v = jax.random.randint(k3, (BATCH, NUM_NEG), 0, WORD_SIZE).astype(jnp.int32)
    init_range = 0.5 / EMB_DIM
    # u_embed: uniform(-init_range, init_range) as in _init_emb; v_embed given small
    # random values (instead of exact zeros) so the forward/backward is non-degenerate.
    u_table = jax.random.uniform(k4, (WORD_SIZE, EMB_DIM), dtype=jnp.float32, minval=-init_range, maxval=init_range)
    v_table = jax.random.uniform(k5, (WORD_SIZE, EMB_DIM), dtype=jnp.float32, minval=-init_range, maxval=init_range)
    return {"u_table": u_table, "v_table": v_table, "pos_u": pos_u, "pos_v": pos_v, "neg_v": neg_v}


def reference(u_table, v_table, pos_u, pos_v, neg_v):
    # emb_u = self.u_embed(pos_u)  -> [B, D]
    emb_u = jnp.take(u_table, pos_u, axis=0)
    # emb_v = self.v_embed(pos_v)  -> [B, D]
    emb_v = jnp.take(v_table, pos_v, axis=0)
    # score = logsigmoid(sum(mul(emb_u, emb_v).squeeze())) -> scalar (sum over ALL elements,
    # matching the original torch code exactly)
    score = jax.nn.log_sigmoid(jnp.sum(emb_u * emb_v))
    # neg_emb_v = self.v_embed(neg_v) -> [B, N, D]
    neg_emb_v = jnp.take(v_table, neg_v, axis=0)
    # bmm(neg_emb_v, emb_u.unsqueeze(2)).squeeze() -> [B, N]; summed -> scalar
    neg_score = jnp.sum(jnp.einsum('bnd,bd->bn', neg_emb_v, emb_u))
    neg_score = jax.nn.log_sigmoid(-1.0 * neg_score)
    return -1.0 * (jnp.sum(score) + jnp.sum(neg_score))

if __name__ == "__main__":
    import jax
    _d = setup_inputs()
    print(jax.jit(kernel)(*tuple(_d.values())))

</pallas_src>

<mosaic_0001>
#map = affine_map<(d0, d1) -> (0, 0)>
#map1 = affine_map<(d0, d1) -> (0, 0, 0)>
#map2 = affine_map<(d0, d1) -> (0, 0, 0, 0)>
module attributes {stable_mosaic.version = 14 : i64} {
  func.func @_sc_body(%arg0: i32, %arg1: i32, %arg2: memref<1000000x64xf32, #tpu.memory_space<hbm>>, %arg3: memref<1000000x64xf32, #tpu.memory_space<hbm>>, %arg4: memref<32x4x128xi32, #tpu.memory_space<hbm>>, %arg5: memref<32x4x128xi32, #tpu.memory_space<hbm>>, %arg6: memref<32x5x4x128xi32, #tpu.memory_space<hbm>>, %arg7: memref<32x16xf32, #tpu.memory_space<hbm>>, %arg8: memref<32x16xf32, #tpu.memory_space<hbm>>, %arg9: memref<4x128xi32, #tpu.memory_space<vmem>>, %arg10: memref<4x128xi32, #tpu.memory_space<vmem>>, %arg11: memref<5x4x128xi32, #tpu.memory_space<vmem>>, %arg12: memref<128x64xf32, #tpu.memory_space<vmem>>, %arg13: memref<128x64xf32, #tpu.memory_space<vmem>>, %arg14: memref<128x64xf32, #tpu.memory_space<vmem>>, %arg15: memref<128x64xf32, #tpu.memory_space<vmem>>, %arg16: memref<128x64xf32, #tpu.memory_space<vmem>>, %arg17: memref<128x64xf32, #tpu.memory_space<vmem>>, %arg18: memref<128x64xf32, #tpu.memory_space<vmem>>, %arg19: memref<128x64xf32, #tpu.memory_space<vmem>>, %arg20: memref<128x64xf32, #tpu.memory_space<vmem>>, %arg21: memref<128x64xf32, #tpu.memory_space<vmem>>, %arg22: memref<128x64xf32, #tpu.memory_space<vmem>>, %arg23: memref<128x64xf32, #tpu.memory_space<vmem>>, %arg24: memref<128x64xf32, #tpu.memory_space<vmem>>, %arg25: memref<128x64xf32, #tpu.memory_space<vmem>>, %arg26: memref<16xf32, #tpu.memory_space<vmem>>, %arg27: memref<!tpu.dma_semaphore, #tpu.memory_space<semaphore_mem>>, %arg28: memref<!tpu.dma_semaphore, #tpu.memory_space<semaphore_mem>>) attributes {dimension_semantics = [#tpu.dimension_semantics<core_parallel>, #tpu.dimension_semantics<subcore_parallel>], iteration_bounds = array<i64: 2, 16>, scalar_prefetch = 0 : i64, scratch_operands = 20 : i64, tpu.core_type = #tpu.core_type<sc_vector_subcore>, window_params = [{transform_indices = #map}, {transform_indices = #map}, {transform_indices = #map1}, {transform_indices = #map1}, {transform_indices = #map2}, {transform_indices = #map}, {transform_indices = #map}]} {
    %mul3A = arith.constant 2 : i32
    %mul3A_0 = arith.muli %arg1, %mul3A : i32
    %add3A = arith.addi %mul3A_0, %arg0 : i32
    "tpu.region"() ({
      %run_scoped3A = tpu.sem_alloc : memref<!tpu.dma_semaphore, #tpu.memory_space<semaphore_mem>>
      %dma_start3A_466 = arith.constant 0 : i32
      %dma_start3A_467 = arith.constant 0 : i32
      %dma_start3A_468 = tpu.memref_slice %arg4[%add3A, %dma_start3A_466, %dma_start3A_467] : memref<32x4x128xi32, #tpu.memory_space<hbm>> -> memref<1x4x128xi32, #tpu.memory_space<hbm>>
      %dma_start3A_469 = tpu.memref_squeeze %dma_start3A_468 : memref<1x4x128xi32, #tpu.memory_space<hbm>> -> memref<4x128xi32, #tpu.memory_space<hbm>>
      %dma_start3A_470 = arith.constant 0 : i32
      %dma_start3A_471 = arith.constant 0 : i32
      %dma_start3A_472 = tpu.memref_slice %arg4[%add3A, %dma_start3A_470, %dma_start3A_471] : memref<32x4x128xi32, #tpu.memory_space<hbm>> -> memref<1x4x128xi32, #tpu.memory_space<hbm>>
      %dma_start3A_473 = tpu.memref_squeeze %dma_start3A_472 : memref<1x4x128xi32, #tpu.memory_space<hbm>> -> memref<4x128xi32, #tpu.memory_space<hbm>>
      tpu.enqueue_dma source(%dma_start3A_473 : memref<4x128xi32, #tpu.memory_space<hbm>>) target(%arg9 : memref<4x128xi32, #tpu.memory_space<vmem>>) target_semaphore(%run_scoped3A : memref<!tpu.dma_semaphore, #tpu.memory_space<semaphore_mem>>)
      %dma_wait3A_474 = arith.constant 0 : i32
      %dma_wait3A_475 = arith.constant 0 : i32
      %dma_wait3A_476 = tpu.memref_slice %arg4[%add3A, %dma_wait3A_474, %dma_wait3A_475] : memref<32x4x128xi32, #tpu.memory_space<hbm>> -> memref<1x4x128xi32, #tpu.memory_space<hbm>>
      %dma_wait3A_477 = tpu.memref_squeeze %dma_wait3A_476 : memref<1x4x128xi32, #tpu.memory_space<hbm>> -> memref<4x128xi32, #tpu.memory_space<hbm>>
      %dma_wait3A_478 = arith.constant 0 : i32
      %dma_wait3A_479 = arith.constant 0 : i32
      %dma_wait3A_480 = tpu.memref_slice %arg4[%add3A, %dma_wait3A_478, %dma_wait3A_479] : memref<32x4x128xi32, #tpu.memory_space<hbm>> -> memref<1x4x128xi32, #tpu.memory_space<hbm>>
      %dma_wait3A_481 = tpu.memref_squeeze %dma_wait3A_480 : memref<1x4x128xi32, #tpu.memory_space<hbm>> -> memref<4x128xi32, #tpu.memory_space<hbm>>
      tpu.wait_dma2 semaphore(%run_scoped3A : memref<!tpu.dma_semaphore, #tpu.memory_space<semaphore_mem>>) src(%dma_wait3A_481 : memref<4x128xi32, #tpu.memory_space<hbm>>) dst(%arg9 : memref<4x128xi32, #tpu.memory_space<vmem>>)
      tpu.yield
    }) : () -> ()
    "tpu.region"() ({
      %run_scoped3A = tpu.sem_alloc : memref<!tpu.dma_semaphore, #tpu.memory_space<semaphore_mem>>
      %dma_start3A_466 = arith.constant 0 : i32
      %dma_start3A_467 = arith.constant 0 : i32
      %dma_start3A_468 = tpu.memref_slice %arg5[%add3A, %dma_start3A_466, %dma_start3A_467] : memref<32x4x128xi32, #tpu.memory_space<hbm>> -> memref<1x4x128xi32, #tpu.memory_space<hbm>>
      %dma_start3A_469 = tpu.memref_squeeze %dma_start3A_468 : memref<1x4x128xi32, #tpu.memory_space<hbm>> -> memref<4x128xi32, #tpu.memory_space<hbm>>
      %dma_start3A_470 = arith.constant 0 : i32
      %dma_start3A_471 = arith.constant 0 : i32
      %dma_start3A_472 = tpu.memref_slice %arg5[%add3A, %dma_start3A_470, %dma_start3A_471] : memref<32x4x128xi32, #tpu.memory_space<hbm>> -> memref<1x4x128xi32, #tpu.memory_space<hbm>>
      %dma_start3A_473 = tpu.memref_squeeze %dma_start3A_472 : memref<1x4x128xi32, #tpu.memory_space<hbm>> -> memref<4x128xi32, #tpu.memory_space<hbm>>
      tpu.enqueue_dma source(%dma_start3A_473 : memref<4x128xi32, #tpu.memory_space<hbm>>) target(%arg10 : memref<4x128xi32, #tpu.memory_space<vmem>>) target_semaphore(%run_scoped3A : memref<!tpu.dma_semaphore, #tpu.memory_space<semaphore_mem>>)
      %dma_wait3A_474 = arith.constant 0 : i32
      %dma_wait3A_475 = arith.constant 0 : i32
      %dma_wait3A_476 = tpu.memref_slice %arg5[%add3A, %dma_wait3A_474, %dma_wait3A_475] : memref<32x4x128xi32, #tpu.memory_space<hbm>> -> memref<1x4x128xi32, #tpu.memory_space<hbm>>
      %dma_wait3A_477 = tpu.memref_squeeze %dma_wait3A_476 : memref<1x4x128xi32, #tpu.memory_space<hbm>> -> memref<4x128xi32, #tpu.memory_space<hbm>>
      %dma_wait3A_478 = arith.constant 0 : i32
      %dma_wait3A_479 = arith.constant 0 : i32
      %dma_wait3A_480 = tpu.memref_slice %arg5[%add3A, %dma_wait3A_478, %dma_wait3A_479] : memref<32x4x128xi32, #tpu.memory_space<hbm>> -> memref<1x4x128xi32, #tpu.memory_space<hbm>>
      %dma_wait3A_481 = tpu.memref_squeeze %dma_wait3A_480 : memref<1x4x128xi32, #tpu.memory_space<hbm>> -> memref<4x128xi32, #tpu.memory_space<hbm>>
      tpu.wait_dma2 semaphore(%run_scoped3A : memref<!tpu.dma_semaphore, #tpu.memory_space<semaphore_mem>>) src(%dma_wait3A_481 : memref<4x128xi32, #tpu.memory_space<hbm>>) dst(%arg10 : memref<4x128xi32, #tpu.memory_space<vmem>>)
      tpu.yield
    }) : () -> ()
    "tpu.region"() ({
      %run_scoped3A = tpu.sem_alloc : memref<!tpu.dma_semaphore, #tpu.memory_space<semaphore_mem>>
      %dma_start3A_466 = arith.constant 0 : i32
      %dma_start3A_467 = arith.constant 0 : i32
      %dma_start3A_468 = arith.constant 0 : i32
      %dma_start3A_469 = tpu.memref_slice %arg6[%add3A, %dma_start3A_466, %dma_start3A_467, %dma_start3A_468] : memref<32x5x4x128xi32, #tpu.memory_space<hbm>> -> memref<1x5x4x128xi32, #tpu.memory_space<hbm>>
      %dma_start3A_470 = tpu.memref_squeeze %dma_start3A_469 : memref<1x5x4x128xi32, #tpu.memory_space<hbm>> -> memref<5x4x128xi32, #tpu.memory_space<hbm>>
      %dma_start3A_471 = arith.constant 0 : i32
      %dma_start3A_472 = arith.constant 0 : i32
      %dma_start3A_473 = arith.constant 0 : i32
      %dma_start3A_474 = tpu.memref_slice %arg6[%add3A, %dma_start3A_471, %dma_start3A_472, %dma_start3A_473] : memref<32x5x4x128xi32, #tpu.memory_space<hbm>> -> memref<1x5x4x128xi32, #tpu.memory_space<hbm>>
      %dma_start3A_475 = tpu.memref_squeeze %dma_start3A_474 : memref<1x5x4x128xi32, #tpu.memory_space<hbm>> -> memref<5x4x128xi32, #tpu.memory_space<hbm>>
      tpu.enqueue_dma source(%dma_start3A_475 : memref<5x4x128xi32, #tpu.memory_space<hbm>>) target(%arg11 : memref<5x4x128xi32, #tpu.memory_space<vmem>>) target_semaphore(%run_scoped3A : memref<!tpu.dma_semaphore, #tpu.memory_space<semaphore_mem>>)
      %dma_wait3A_476 = arith.constant 0 : i32
      %dma_wait3A_477 = arith.constant 0 : i32
      %dma_wait3A_478 = arith.constant 0 : i32
      %dma_wait3A_479 = tpu.memref_slice %arg6[%add3A, %dma_wait3A_476, %dma_wait3A_477, %dma_wait3A_478] : memref<32x5x4x128xi32, #tpu.memory_space<hbm>> -> memref<1x5x4x128xi32, #tpu.memory_space<hbm>>
      %dma_wait3A_480 = tpu.memref_squeeze %dma_wait3A_479 : memref<1x5x4x128xi32, #tpu.memory_space<hbm>> -> memref<5x4x128xi32, #tpu.memory_space<hbm>>
      %dma_wait3A_481 = arith.constant 0 : i32
      %dma_wait3A_482 = arith.constant 0 : i32
      %dma_wait3A_483 = arith.constant 0 : i32
      %dma_wait3A_484 = tpu.memref_slice %arg6[%add3A, %dma_wait3A_481, %dma_wait3A_482, %dma_wait3A_483] : memref<32x5x4x128xi32, #tpu.memory_space<hbm>> -> memref<1x5x4x128xi32, #tpu.memory_space<hbm>>
      %dma_wait3A_485 = tpu.memref_squeeze %dma_wait3A_484 : memref<1x5x4x128xi32, #tpu.memory_space<hbm>> -> memref<5x4x128xi32, #tpu.memory_space<hbm>>
      tpu.wait_dma2 semaphore(%run_scoped3A : memref<!tpu.dma_semaphore, #tpu.memory_space<semaphore_mem>>) src(%dma_wait3A_485 : memref<5x4x128xi32, #tpu.memory_space<hbm>>) dst(%arg11 : memref<5x4x128xi32, #tpu.memory_space<vmem>>)
      tpu.yield
    }) : () -> ()
    %broadcast_in_dim3A = arith.constant 0.000000e+00 : f32
    %broadcast_in_dim3A_1 = vector.broadcast %broadcast_in_dim3A : f32 to vector<16xf32>
    %dma_start3A = arith.constant 0 : i32
    %dma_start3A_2 = arith.constant 0 : i32
    %dma_start3A_3 = tpu.memref_slice %arg9[%dma_start3A, %dma_start3A_2] : memref<4x128xi32, #tpu.memory_space<vmem>> -> memref<1x128xi32, #tpu.memory_space<vmem>>
    %dma_start3A_4 = tpu.memref_squeeze %dma_start3A_3 : memref<1x128xi32, #tpu.memory_space<vmem>> -> memref<128xi32, #tpu.memory_space<vmem>>
    %dma_start3A_5 = arith.constant 0 : i32
    %dma_start3A_6 = arith.constant 0 : i32
    %dma_start3A_7 = tpu.memref_slice %arg2[%dma_start3A_5, %dma_start3A_6] : memref<1000000x64xf32, #tpu.memory_space<hbm>> -> memref<1000000x64xf32, #tpu.memory_space<hbm>>
    tpu.enqueue_indirect_dma source(%dma_start3A_7 : memref<1000000x64xf32, #tpu.memory_space<hbm>>) target(%arg12 : memref<128x64xf32, #tpu.memory_space<vmem>>) offsets(%dma_start3A_4 : memref<128xi32, #tpu.memory_space<vmem>>) semaphore(%arg27 : memref<!tpu.dma_semaphore, #tpu.memory_space<semaphore_mem>>)
    %dma_start3A_8 = arith.constant 0 : i32
    %dma_start3A_9 = arith.constant 0 : i32
    %dma_start3A_10 = tpu.memref_slice %arg10[%dma_start3A_8, %dma_start3A_9] : memref<4x128xi32, #tpu.memory_space<vmem>> -> memref<1x128xi32, #tpu.memory_space<vmem>>
    %dma_start3A_11 = tpu.memref_squeeze %dma_start3A_10 : memref<1x128xi32, #tpu.memory_space<vmem>> -> memref<128xi32, #tpu.memory_space<vmem>>
    %dma_start3A_12 = arith.constant 0 : i32
    %dma_start3A_13 = arith.constant 0 : i32
    %dma_start3A_14 = tpu.memref_slice %arg3[%dma_start3A_12, %dma_start3A_13] : memref<1000000x64xf32, #tpu.memory_space<hbm>> -> memref<1000000x64xf32, #tpu.memory_space<hbm>>
    tpu.enqueue_indirect_dma source(%dma_start3A_14 : memref<1000000x64xf32, #tpu.memory_space<hbm>>) target(%arg13 : memref<128x64xf32, #tpu.memory_space<vmem>>) offsets(%dma_start3A_11 : memref<128xi32, #tpu.memory_space<vmem>>) semaphore(%arg27 : memref<!tpu.dma_semaphore, #tpu.memory_space<semaphore_mem>>)
    %dma_start3A_15 = arith.constant 0 : i32
    %dma_start3A_16 = arith.constant 0 : i32
    %dma_start3A_17 = arith.constant 0 : i32
    %dma_start3A_18 = tpu.memref_slice %arg11[%dma_start3A_15, %dma_start3A_16, %dma_start3A_17] : memref<5x4x128xi32, #tpu.memory_space<vmem>> -> memref<1x1x128xi32, #tpu.memory_space<vmem>>
    %dma_start3A_19 = tpu.memref_squeeze %dma_start3A_18 : memref<1x1x128xi32, #tpu.memory_space<vmem>> -> memref<128xi32, #tpu.memory_space<vmem>>
    %dma_start3A_20 = arith.constant 0 : i32
    %dma_start3A_21 = arith.constant 0 : i32
    %dma_start3A_22 = tpu.memref_slice %arg3[%dma_start3A_20, %dma_start3A_21] : memref<1000000x64xf32, #tpu.memory_space<hbm>> -> memref<1000000x64xf32, #tpu.memory_space<hbm>>
    tpu.enqueue_indirect_dma source(%dma_start3A_22 : memref<1000000x64xf32, #tpu.memory_space<hbm>>) target(%arg14 : memref<128x64xf32, #tpu.memory_space<vmem>>) offsets(%dma_start3A_19 : memref<128xi32, #tpu.memory_space<vmem>>) semaphore(%arg27 : memref<!tpu.dma_semaphore, #tpu.memory_space<semaphore_mem>>)
    %dma_start3A_23 = arith.constant 1 : i32
    %dma_start3A_24 = arith.constant 0 : i32
    %dma_start3A_25 = arith.constant 0 : i32
    %dma_start3A_26 = tpu.memref_slice %arg11[%dma_start3A_23, %dma_start3A_24, %dma_start3A_25] : memref<5x4x128xi32, #tpu.memory_space<vmem>> -> memref<1x1x128xi32, #tpu.memory_space<vmem>>
    %dma_start3A_27 = tpu.memref_squeeze %dma_start3A_26 : memref<1x1x128xi32, #tpu.memory_space<vmem>> -> memref<128xi32, #tpu.memory_space<vmem>>
    %dma_start3A_28 = arith.constant 0 : i32
    %dma_start3A_29 = arith.constant 0 : i32
    %dma_start3A_30 = tpu.memref_slice %arg3[%dma_start3A_28, %dma_start3A_29] : memref<1000000x64xf32, #tpu.memory_space<hbm>> -> memref<1000000x64xf32, #tpu.memory_space<hbm>>
    tpu.enqueue_indirect_dma source(%dma_start3A_30 : memref<1000000x64xf32, #tpu.memory_space<hbm>>) target(%arg15 : memref<128x64xf32, #tpu.memory_space<vmem>>) offsets(%dma_start3A_27 : memref<128xi32, #tpu.memory_space<vmem>>) semaphore(%arg27 : memref<!tpu.dma_semaphore, #tpu.memory_space<semaphore_mem>>)
    %dma_start3A_31 = arith.constant 2 : i32
    %dma_start3A_32 = arith.constant 0 : i32
    %dma_start3A_33 = arith.constant 0 : i32
    %dma_start3A_34 = tpu.memref_slice %arg11[%dma_start3A_31, %dma_start3A_32, %dma_start3A_33] : memref<5x4x128xi32, #tpu.memory_space<vmem>> -> memref<1x1x128xi32, #tpu.memory_space<vmem>>
    %dma_start3A_35 = tpu.memref_squeeze %dma_start3A_34 : memref<1x1x128xi32, #tpu.memory_space<vmem>> -> memref<128xi32, #tpu.memory_space<vmem>>
    %dma_start3A_36 = arith.constant 0 : i32
    %dma_start3A_37 = arith.constant 0 : i32
    %dma_start3A_38 = tpu.memref_slice %arg3[%dma_start3A_36, %dma_start3A_37] : memref<1000000x64xf32, #tpu.memory_space<hbm>> -> memref<1000000x64xf32, #tpu.memory_space<hbm>>
    tpu.enqueue_indirect_dma source(%dma_start3A_38 : memref<1000000x64xf32, #tpu.memory_space<hbm>>) target(%arg16 : memref<128x64xf32, #tpu.memory_space<vmem>>) offsets(%dma_start3A_35 : memref<128xi32, #tpu.memory_space<vmem>>) semaphore(%arg27 : memref<!tpu.dma_semaphore, #tpu.memory_space<semaphore_mem>>)
    %dma_start3A_39 = arith.constant 3 : i32
    %dma_start3A_40 = arith.constant 0 : i32
    %dma_start3A_41 = arith.constant 0 : i32
    %dma_start3A_42 = tpu.memref_slice %arg11[%dma_start3A_39, %dma_start3A_40, %dma_start3A_41] : memref<5x4x128xi32, #tpu.memory_space<vmem>> -> memref<1x1x128xi32, #tpu.memory_space<vmem>>
    %dma_start3A_43 = tpu.memref_squeeze %dma_start3A_42 : memref<1x1x128xi32, #tpu.memory_space<vmem>> -> memref<128xi32, #tpu.memory_space<vmem>>
    %dma_start3A_44 = arith.constant 0 : i32
    %dma_start3A_45 = arith.constant 0 : i32
    %dma_start3A_46 = tpu.memref_slice %arg3[%dma_start3A_44, %dma_start3A_45] : memref<1000000x64xf32, #tpu.memory_space<hbm>> -> memref<1000000x64xf32, #tpu.memory_space<hbm>>
    tpu.enqueue_indirect_dma source(%dma_start3A_46 : memref<1000000x64xf32, #tpu.memory_space<hbm>>) target(%arg17 : memref<128x64xf32, #tpu.memory_space<vmem>>) offsets(%dma_start3A_43 : memref<128xi32, #tpu.memory_space<vmem>>) semaphore(%arg27 : memref<!tpu.dma_semaphore, #tpu.memory_space<semaphore_mem>>)
    %dma_start3A_47 = arith.constant 4 : i32
    %dma_start3A_48 = arith.constant 0 : i32
    %dma_start3A_49 = arith.constant 0 : i32
    %dma_start3A_50 = tpu.memref_slice %arg11[%dma_start3A_47, %dma_start3A_48, %dma_start3A_49] : memref<5x4x128xi32, #tpu.memory_space<vmem>> -> memref<1x1x128xi32, #tpu.memory_space<vmem>>
    %dma_start3A_51 = tpu.memref_squeeze %dma_start3A_50 : memref<1x1x128xi32, #tpu.memory_space<vmem>> -> memref<128xi32, #tpu.memory_space<vmem>>
    %dma_start3A_52 = arith.constant 0 : i32
    %dma_start3A_53 = arith.constant 0 : i32
    %dma_start3A_54 = tpu.memref_slice %arg3[%dma_start3A_52, %dma_start3A_53] : memref<1000000x64xf32, #tpu.memory_space<hbm>> -> memref<1000000x64xf32, #tpu.memory_space<hbm>>
    tpu.enqueue_indirect_dma source(%dma_start3A_54 : memref<1000000x64xf32, #tpu.memory_space<hbm>>) target(%arg18 : memref<128x64xf32, #tpu.memory_space<vmem>>) offsets(%dma_start3A_51 : memref<128xi32, #tpu.memory_space<vmem>>) semaphore(%arg27 : memref<!tpu.dma_semaphore, #tpu.memory_space<semaphore_mem>>)
    %dma_wait3A = arith.constant 0 : i32
    %dma_wait3A_55 = arith.constant 0 : i32
    %dma_wait3A_56 = tpu.memref_slice %arg9[%dma_wait3A, %dma_wait3A_55] : memref<4x128xi32, #tpu.memory_space<vmem>> -> memref<1x128xi32, #tpu.memory_space<vmem>>
    %dma_wait3A_57 = tpu.memref_squeeze %dma_wait3A_56 : memref<1x128xi32, #tpu.memory_space<vmem>> -> memref<128xi32, #tpu.memory_space<vmem>>
    %dma_wait3A_58 = arith.constant 0 : i32
    %dma_wait3A_59 = arith.constant 0 : i32
    %dma_wait3A_60 = tpu.memref_slice %arg2[%dma_wait3A_58, %dma_wait3A_59] : memref<1000000x64xf32, #tpu.memory_space<hbm>> -> memref<1000000x64xf32, #tpu.memory_space<hbm>>
    tpu.wait_indirect_dma semaphore(%arg27 : memref<!tpu.dma_semaphore, #tpu.memory_space<semaphore_mem>>) src(%dma_wait3A_60 : memref<1000000x64xf32, #tpu.memory_space<hbm>>) dst(%arg12 : memref<128x64xf32, #tpu.memory_space<vmem>>)
    %dma_wait3A_61 = arith.constant 0 : i32
    %dma_wait3A_62 = arith.constant 0 : i32
    %dma_wait3A_63 = tpu.memref_slice %arg10[%dma_wait3A_61, %dma_wait3A_62] : memref<4x128xi32, #tpu.memory_space<vmem>> -> memref<1x128xi32, #tpu.memory_space<vmem>>
    %dma_wait3A_64 = tpu.memref_squeeze %dma_wait3A_63 : memref<1x128xi32, #tpu.memory_space<vmem>> -> memref<128xi32, #tpu.memory_space<vmem>>
    %dma_wait3A_65 = arith.constant 0 : i32
    %dma_wait3A_66 = arith.constant 0 : i32
    %dma_wait3A_67 = tpu.memref_slice %arg3[%dma_wait3A_65, %dma_wait3A_66] : memref<1000000x64xf32, #tpu.memory_space<hbm>> -> memref<1000000x64xf32, #tpu.memory_space<hbm>>
    tpu.wait_indirect_dma semaphore(%arg27 : memref<!tpu.dma_semaphore, #tpu.memory_space<semaphore_mem>>) src(%dma_wait3A_67 : memref<1000000x64xf32, #tpu.memory_space<hbm>>) dst(%arg13 : memref<128x64xf32, #tpu.memory_space<vmem>>)
    %dma_wait3A_68 = arith.constant 0 : i32
    %dma_wait3A_69 = arith.constant 0 : i32
    %dma_wait3A_70 = arith.constant 0 : i32
    %dma_wait3A_71 = tpu.memref_slice %arg11[%dma_wait3A_68, %dma_wait3A_69, %dma_wait3A_70] : memref<5x4x128xi32, #tpu.memory_space<vmem>> -> memref<1x1x128xi32, #tpu.memory_space<vmem>>
    %dma_wait3A_72 = tpu.memref_squeeze %dma_wait3A_71 : memref<1x1x128xi32, #tpu.memory_space<vmem>> -> memref<128xi32, #tpu.memory_space<vmem>>
    %dma_wait3A_73 = arith.constant 0 : i32
    %dma_wait3A_74 = arith.constant 0 : i32
    %dma_wait3A_75 = tpu.memref_slice %arg3[%dma_wait3A_73, %dma_wait3A_74] : memref<1000000x64xf32, #tpu.memory_space<hbm>> -> memref<1000000x64xf32, #tpu.memory_space<hbm>>
    tpu.wait_indirect_dma semaphore(%arg27 : memref<!tpu.dma_semaphore, #tpu.memory_space<semaphore_mem>>) src(%dma_wait3A_75 : memref<1000000x64xf32, #tpu.memory_space<hbm>>) dst(%arg14 : memref<128x64xf32, #tpu.memory_space<vmem>>)
    %dma_wait3A_76 = arith.constant 1 : i32
    %dma_wait3A_77 = arith.constant 0 : i32
    %dma_wait3A_78 = arith.constant 0 : i32
    %dma_wait3A_79 = tpu.memref_slice %arg11[%dma_wait3A_76, %dma_wait3A_77, %dma_wait3A_78] : memref<5x4x128xi32, #tpu.memory_space<vmem>> -> memref<1x1x128xi32, #tpu.memory_space<vmem>>
    %dma_wait3A_80 = tpu.memref_squeeze %dma_wait3A_79 : memref<1x1x128xi32, #tpu.memory_space<vmem>> -> memref<128xi32, #tpu.memory_space<vmem>>
    %dma_wait3A_81 = arith.constant 0 : i32
    %dma_wait3A_82 = arith.constant 0 : i32
    %dma_wait3A_83 = tpu.memref_slice %arg3[%dma_wait3A_81, %dma_wait3A_82] : memref<1000000x64xf32, #tpu.memory_space<hbm>> -> memref<1000000x64xf32, #tpu.memory_space<hbm>>
    tpu.wait_indirect_dma semaphore(%arg27 : memref<!tpu.dma_semaphore, #tpu.memory_space<semaphore_mem>>) src(%dma_wait3A_83 : memref<1000000x64xf32, #tpu.memory_space<hbm>>) dst(%arg15 : memref<128x64xf32, #tpu.memory_space<vmem>>)
    %dma_wait3A_84 = arith.constant 2 : i32
    %dma_wait3A_85 = arith.constant 0 : i32
    %dma_wait3A_86 = arith.constant 0 : i32
    %dma_wait3A_87 = tpu.memref_slice %arg11[%dma_wait3A_84, %dma_wait3A_85, %dma_wait3A_86] : memref<5x4x128xi32, #tpu.memory_space<vmem>> -> memref<1x1x128xi32, #tpu.memory_space<vmem>>
    %dma_wait3A_88 = tpu.memref_squeeze %dma_wait3A_87 : memref<1x1x128xi32, #tpu.memory_space<vmem>> -> memref<128xi32, #tpu.memory_space<vmem>>
    %dma_wait3A_89 = arith.constant 0 : i32
    %dma_wait3A_90 = arith.constant 0 : i32
    %dma_wait3A_91 = tpu.memref_slice %arg3[%dma_wait3A_89, %dma_wait3A_90] : memref<1000000x64xf32, #tpu.memory_space<hbm>> -> memref<1000000x64xf32, #tpu.memory_space<hbm>>
    tpu.wait_indirect_dma semaphore(%arg27 : memref<!tpu.dma_semaphore, #tpu.memory_space<semaphore_mem>>) src(%dma_wait3A_91 : memref<1000000x64xf32, #tpu.memory_space<hbm>>) dst(%arg16 : memref<128x64xf32, #tpu.memory_space<vmem>>)
    %dma_wait3A_92 = arith.constant 3 : i32
    %dma_wait3A_93 = arith.constant 0 : i32
    %dma_wait3A_94 = arith.constant 0 : i32
    %dma_wait3A_95 = tpu.memref_slice %arg11[%dma_wait3A_92, %dma_wait3A_93, %dma_wait3A_94] : memref<5x4x128xi32, #tpu.memory_space<vmem>> -> memref<1x1x128xi32, #tpu.memory_space<vmem>>
    %dma_wait3A_96 = tpu.memref_squeeze %dma_wait3A_95 : memref<1x1x128xi32, #tpu.memory_space<vmem>> -> memref<128xi32, #tpu.memory_space<vmem>>
    %dma_wait3A_97 = arith.constant 0 : i32
    %dma_wait3A_98 = arith.constant 0 : i32
    %dma_wait3A_99 = tpu.memref_slice %arg3[%dma_wait3A_97, %dma_wait3A_98] : memref<1000000x64xf32, #tpu.memory_space<hbm>> -> memref<1000000x64xf32, #tpu.memory_space<hbm>>
    tpu.wait_indirect_dma semaphore(%arg27 : memref<!tpu.dma_semaphore, #tpu.memory_space<semaphore_mem>>) src(%dma_wait3A_99 : memref<1000000x64xf32, #tpu.memory_space<hbm>>) dst(%arg17 : memref<128x64xf32, #tpu.memory_space<vmem>>)
    %dma_wait3A_100 = arith.constant 4 : i32
    %dma_wait3A_101 = arith.constant 0 : i32
    %dma_wait3A_102 = arith.constant 0 : i32
    %dma_wait3A_103 = tpu.memref_slice %arg11[%dma_wait3A_100, %dma_wait3A_101, %dma_wait3A_102] : memref<5x4x128xi32, #tpu.memory_space<vmem>> -> memref<1x1x128xi32, #tpu.memory_space<vmem>>
    %dma_wait3A_104 = tpu.memref_squeeze %dma_wait3A_103 : memref<1x1x128xi32, #tpu.memory_space<vmem>> -> memref<128xi32, #tpu.memory_space<vmem>>
    %dma_wait3A_105 = arith.constant 0 : i32
    %dma_wait3A_106 = arith.constant 0 : i32
    %dma_wait3A_107 = tpu.memref_slice %arg3[%dma_wait3A_105, %dma_wait3A_106] : memref<1000000x64xf32, #tpu.memory_space<hbm>> -> memref<1000000x64xf32, #tpu.memory_space<hbm>>
    tpu.wait_indirect_dma semaphore(%arg27 : memref<!tpu.dma_semaphore, #tpu.memory_space<semaphore_mem>>) src(%dma_wait3A_107 : memref<1000000x64xf32, #tpu.memory_space<hbm>>) dst(%arg18 : memref<128x64xf32, #tpu.memory_space<vmem>>)
    %dma_start3A_108 = arith.constant 1 : i32
    %dma_start3A_109 = arith.constant 0 : i32
    %dma_start3A_110 = tpu.memref_slice %arg9[%dma_start3A_108, %dma_start3A_109] : memref<4x128xi32, #tpu.memory_space<vmem>> -> memref<1x128xi32, #tpu.memory_space<vmem>>
    %dma_start3A_111 = tpu.memref_squeeze %dma_start3A_110 : memref<1x128xi32, #tpu.memory_space<vmem>> -> memref<128xi32, #tpu.memory_space<vmem>>
    %dma_start3A_112 = arith.constant 0 : i32
    %dma_start3A_113 = arith.constant 0 : i32
    %dma_start3A_114 = tpu.memref_slice %arg2[%dma_start3A_112, %dma_start3A_113] : memref<1000000x64xf32, #tpu.memory_space<hbm>> -> memref<1000000x64xf32, #tpu.memory_space<hbm>>
    tpu.enqueue_indirect_dma source(%dma_start3A_114 : memref<1000000x64xf32, #tpu.memory_space<hbm>>) target(%arg19 : memref<128x64xf32, #tpu.memory_space<vmem>>) offsets(%dma_start3A_111 : memref<128xi32, #tpu.memory_space<vmem>>) semaphore(%arg28 : memref<!tpu.dma_semaphore, #tpu.memory_space<semaphore_mem>>)
    %dma_start3A_115 = arith.constant 1 : i32
    %dma_start3A_116 = arith.constant 0 : i32
    %dma_start3A_117 = tpu.memref_slice %arg10[%dma_start3A_115, %dma_start3A_116] : memref<4x128xi32, #tpu.memory_space<vmem>> -> memref<1x128xi32, #tpu.memory_space<vmem>>
    %dma_start3A_118 = tpu.memref_squeeze %dma_start3A_117 : memref<1x128xi32, #tpu.memory_space<vmem>> -> memref<128xi32, #tpu.memory_space<vmem>>
    %dma_start3A_119 = arith.constant 0 : i32
    %dma_start3A_120 = arith.constant 0 : i32
    %dma_start3A_121 = tpu.memref_slice %arg3[%dma_start3A_119, %dma_start3A_120] : memref<1000000x64xf32, #tpu.memory_space<hbm>> -> memref<1000000x64xf32, #tpu.memory_space<hbm>>
    tpu.enqueue_indirect_dma source(%dma_start3A_121 : memref<1000000x64xf32, #tpu.memory_space<hbm>>) target(%arg20 : memref<128x64xf32, #tpu.memory_space<vmem>>) offsets(%dma_start3A_118 : memref<128xi32, #tpu.memory_space<vmem>>) semaphore(%arg28 : memref<!tpu.dma_semaphore, #tpu.memory_space<semaphore_mem>>)
    %dma_start3A_122 = arith.constant 0 : i32
    %dma_start3A_123 = arith.constant 1 : i32
    %dma_start3A_124 = arith.constant 0 : i32
    %dma_start3A_125 = tpu.memref_slice %arg11[%dma_start3A_122, %dma_start3A_123, %dma_start3A_124] : memref<5x4x128xi32, #tpu.memory_space<vmem>> -> memref<1x1x128xi32, #tpu.memory_space<vmem>>
    %dma_start3A_126 = tpu.memref_squeeze %dma_start3A_125 : memref<1x1x128xi32, #tpu.memory_space<vmem>> -> memref<128xi32, #tpu.memory_space<vmem>>
    %dma_start3A_127 = arith.constant 0 : i32
    %dma_start3A_128 = arith.constant 0 : i32
    %dma_start3A_129 = tpu.memref_slice %arg3[%dma_start3A_127, %dma_start3A_128] : memref<1000000x64xf32, #tpu.memory_space<hbm>> -> memref<1000000x64xf32, #tpu.memory_space<hbm>>
    tpu.enqueue_indirect_dma source(%dma_start3A_129 : memref<1000000x64xf32, #tpu.memory_space<hbm>>) target(%arg21 : memref<128x64xf32, #tpu.memory_space<vmem>>) offsets(%dma_start3A_126 : memref<128xi32, #tpu.memory_space<vmem>>) semaphore(%arg28 : memref<!tpu.dma_semaphore, #tpu.memory_space<semaphore_mem>>)
    %dma_start3A_130 = arith.constant 1 : i32
    %dma_start3A_131 = arith.constant 1 : i32
    %dma_start3A_132 = arith.constant 0 : i32
    %dma_start3A_133 = tpu.memref_slice %arg11[%dma_start3A_130, %dma_start3A_131, %dma_start3A_132] : memref<5x4x128xi32, #tpu.memory_space<vmem>> -> memref<1x1x128xi32, #tpu.memory_space<vmem>>
    %dma_start3A_134 = tpu.memref_squeeze %dma_start3A_133 : memref<1x1x128xi32, #tpu.memory_space<vmem>> -> memref<128xi32, #tpu.memory_space<vmem>>
    %dma_start3A_135 = arith.constant 0 : i32
    %dma_start3A_136 = arith.constant 0 : i32
    %dma_start3A_137 = tpu.memref_slice %arg3[%dma_start3A_135, %dma_start3A_136] : memref<1000000x64xf32, #tpu.memory_space<hbm>> -> memref<1000000x64xf32, #tpu.memory_space<hbm>>
    tpu.enqueue_indirect_dma source(%dma_start3A_137 : memref<1000000x64xf32, #tpu.memory_space<hbm>>) target(%arg22 : memref<128x64xf32, #tpu.memory_space<vmem>>) offsets(%dma_start3A_134 : memref<128xi32, #tpu.memory_space<vmem>>) semaphore(%arg28 : memref<!tpu.dma_semaphore, #tpu.memory_space<semaphore_mem>>)
    %dma_start3A_138 = arith.constant 2 : i32
    %dma_start3A_139 = arith.constant 1 : i32
    %dma_start3A_140 = arith.constant 0 : i32
    %dma_start3A_141 = tpu.memref_slice %arg11[%dma_start3A_138, %dma_start3A_139, %dma_start3A_140] : memref<5x4x128xi32, #tpu.memory_space<vmem>> -> memref<1x1x128xi32, #tpu.memory_space<vmem>>
    %dma_start3A_142 = tpu.memref_squeeze %dma_start3A_141 : memref<1x1x128xi32, #tpu.memory_space<vmem>> -> memref<128xi32, #tpu.memory_space<vmem>>
    %dma_start3A_143 = arith.constant 0 : i32
    %dma_start3A_144 = arith.constant 0 : i32
    %dma_start3A_145 = tpu.memref_slice %arg3[%dma_start3A_143, %dma_start3A_144] : memref<1000000x64xf32, #tpu.memory_space<hbm>> -> memref<1000000x64xf32, #tpu.memory_space<hbm>>
    tpu.enqueue_indirect_dma source(%dma_start3A_145 : memref<1000000x64xf32, #tpu.memory_space<hbm>>) target(%arg23 : memref<128x64xf32, #tpu.memory_space<vmem>>) offsets(%dma_start3A_142 : memref<128xi32, #tpu.memory_space<vmem>>) semaphore(%arg28 : memref<!tpu.dma_semaphore, #tpu.memory_space<semaphore_mem>>)
    %dma_start3A_146 = arith.constant 3 : i32
    %dma_start3A_147 = arith.constant 1 : i32
    %dma_start3A_148 = arith.constant 0 : i32
    %dma_start3A_149 = tpu.memref_slice %arg11[%dma_start3A_146, %dma_start3A_147, %dma_start3A_148] : memref<5x4x128xi32, #tpu.memory_space<vmem>> -> memref<1x1x128xi32, #tpu.memory_space<vmem>>
    %dma_start3A_150 = tpu.memref_squeeze %dma_start3A_149 : memref<1x1x128xi32, #tpu.memory_space<vmem>> -> memref<128xi32, #tpu.memory_space<vmem>>
    %dma_start3A_151 = arith.constant 0 : i32
    %dma_start3A_152 = arith.constant 0 : i32
    %dma_start3A_153 = tpu.memref_slice %arg3[%dma_start3A_151, %dma_start3A_152] : memref<1000000x64xf32, #tpu.memory_space<hbm>> -> memref<1000000x64xf32, #tpu.memory_space<hbm>>
    tpu.enqueue_indirect_dma source(%dma_start3A_153 : memref<1000000x64xf32, #tpu.memory_space<hbm>>) target(%arg24 : memref<128x64xf32, #tpu.memory_space<vmem>>) offsets(%dma_start3A_150 : memref<128xi32, #tpu.memory_space<vmem>>) semaphore(%arg28 : memref<!tpu.dma_semaphore, #tpu.memory_space<semaphore_mem>>)
    %dma_start3A_154 = arith.constant 4 : i32
    %dma_start3A_155 = arith.constant 1 : i32
    %dma_start3A_156 = arith.constant 0 : i32
    %dma_start3A_157 = tpu.memref_slice %arg11[%dma_start3A_154, %dma_start3A_155, %dma_start3A_156] : memref<5x4x128xi32, #tpu.memory_space<vmem>> -> memref<1x1x128xi32, #tpu.memory_space<vmem>>
    %dma_start3A_158 = tpu.memref_squeeze %dma_start3A_157 : memref<1x1x128xi32, #tpu.memory_space<vmem>> -> memref<128xi32, #tpu.memory_space<vmem>>
    %dma_start3A_159 = arith.constant 0 : i32
    %dma_start3A_160 = arith.constant 0 : i32
    %dma_start3A_161 = tpu.memref_slice %arg3[%dma_start3A_159, %dma_start3A_160] : memref<1000000x64xf32, #tpu.memory_space<hbm>> -> memref<1000000x64xf32, #tpu.memory_space<hbm>>
    tpu.enqueue_indirect_dma source(%dma_start3A_161 : memref<1000000x64xf32, #tpu.memory_space<hbm>>) target(%arg25 : memref<128x64xf32, #tpu.memory_space<vmem>>) offsets(%dma_start3A_158 : memref<128xi32, #tpu.memory_space<vmem>>) semaphore(%arg28 : memref<!tpu.dma_semaphore, #tpu.memory_space<semaphore_mem>>)
    %scan3A = arith.constant 0 : i32
    %scan3A_162 = arith.constant 128 : i32
    %scan3A_163 = arith.addi %scan3A, %scan3A_162 : i32
    %scan3A_164 = arith.constant 1 : i32
    %scan3A_165:6 = scf.for %scan3A_466 = %scan3A to %scan3A_163 step %scan3A_164 iter_args(%scan3A_467 = %broadcast_in_dim3A_1, %scan3A_468 = %broadcast_in_dim3A_1, %scan3A_469 = %broadcast_in_dim3A_1, %scan3A_470 = %broadcast_in_dim3A_1, %scan3A_471 = %broadcast_in_dim3A_1, %scan3A_472 = %broadcast_in_dim3A_1) -> (vector<16xf32>, vector<16xf32>, vector<16xf32>, vector<16xf32>, vector<16xf32>, vector<16xf32>)  : i32 {
      %get3A = arith.index_cast %scan3A_466 : i32 to index
      %get3A_473 = arith.constant 0 : index
      %get3A_474 = tpu.vector_load %arg12[%get3A, %get3A_473] {strides = array<i32>} : memref<128x64xf32, #tpu.memory_space<vmem>>, vector<1x16xf32>,
      %get3A_475 = vector.shape_cast %get3A_474 : vector<1x16xf32> to vector<16xf32>
      %get3A_476 = arith.index_cast %scan3A_466 : i32 to index
      %get3A_477 = arith.constant 0 : index
      %get3A_478 = tpu.vector_load %arg13[%get3A_476, %get3A_477] {strides = array<i32>} : memref<128x64xf32, #tpu.memory_space<vmem>>, vector<1x16xf32>,
      %get3A_479 = vector.shape_cast %get3A_478 : vector<1x16xf32> to vector<16xf32>
      %mul3A_480 = arith.mulf %get3A_475, %get3A_479 : vector<16xf32>
      %add3A_481 = arith.addf %scan3A_467, %mul3A_480 : vector<16xf32>
      %get3A_482 = arith.index_cast %scan3A_466 : i32 to index
      %get3A_483 = arith.constant 0 : index
      %get3A_484 = tpu.vector_load %arg14[%get3A_482, %get3A_483] {strides = array<i32>} : memref<128x64xf32, #tpu.memory_space<vmem>>, vector<1x16xf32>,
      %get3A_485 = vector.shape_cast %get3A_484 : vector<1x16xf32> to vector<16xf32>
      %mul3A_486 = arith.mulf %get3A_475, %get3A_485 : vector<16xf32>
      %add3A_487 = arith.addf %scan3A_468, %mul3A_486 : vector<16xf32>
      %get3A_488 = arith.index_cast %scan3A_466 : i32 to index
      %get3A_489 = arith.constant 0 : index
      %get3A_490 = tpu.vector_load %arg15[%get3A_488, %get3A_489] {strides = array<i32>} : memref<128x64xf32, #tpu.memory_space<vmem>>, vector<1x16xf32>,
      %get3A_491 = vector.shape_cast %get3A_490 : vector<1x16xf32> to vector<16xf32>
      %mul3A_492 = arith.mulf %get3A_475, %get3A_491 : vector<16xf32>
      %add3A_493 = arith.addf %scan3A_469, %mul3A_492 : vector<16xf32>
      %get3A_494 = arith.index_cast %scan3A_466 : i32 to index
      %get3A_495 = arith.constant 0 : index
      %get3A_496 = tpu.vector_load %arg16[%get3A_494, %get3A_495] {strides = array<i32>} : memref<128x64xf32, #tpu.memory_space<vmem>>, vector<1x16xf32>,
      %get3A_497 = vector.shape_cast %get3A_496 : vector<1x16xf32> to vector<16xf32>
      %mul3A_498 = arith.mulf %get3A_475, %get3A_497 : vector<16xf32>
      %add3A_499 = arith.addf %scan3A_470, %mul3A_498 : vector<16xf32>
      %get3A_500 = arith.index_cast %scan3A_466 : i32 to index
      %get3A_501 = arith.constant 0 : index
      %get3A_502 = tpu.vector_load %arg17[%get3A_500, %get3A_501] {strides = array<i32>} : memref<128x64xf32, #tpu.memory_space<vmem>>, vector<1x16xf32>,
      %get3A_503 = vector.shape_cast %get3A_502 : vector<1x16xf32> to vector<16xf32>
      %mul3A_504 = arith.mulf %get3A_475, %get3A_503 : vector<16xf32>
      %add3A_505 = arith.addf %scan3A_471, %mul3A_504 : vector<16xf32>
      %get3A_506 = arith.index_cast %scan3A_466 : i32 to index
      %get3A_507 = arith.constant 0 : index
      %get3A_508 = tpu.vector_load %arg18[%get3A_506, %get3A_507] {strides = array<i32>} : memref<128x64xf32, #tpu.memory_space<vmem>>, vector<1x16xf32>,
      %get3A_509 = vector.shape_cast %get3A_508 : vector<1x16xf32> to vector<16xf32>
      %mul3A_510 = arith.mulf %get3A_475, %get3A_509 : vector<16xf32>
      %add3A_511 = arith.addf %scan3A_472, %mul3A_510 : vector<16xf32>
      %get3A_512 = arith.index_cast %scan3A_466 : i32 to index
      %get3A_513 = arith.constant 16 : index
      %get3A_514 = tpu.vector_load %arg12[%get3A_512, %get3A_513] {strides = array<i32>} : memref<128x64xf32, #tpu.memory_space<vmem>>, vector<1x16xf32>,
      %get3A_515 = vector.shape_cast %get3A_514 : vector<1x16xf32> to vector<16xf32>
      %get3A_516 = arith.index_cast %scan3A_466 : i32 to index
      %get3A_517 = arith.constant 16 : index
      %get3A_518 = tpu.vector_load %arg13[%get3A_516, %get3A_517] {strides = array<i32>} : memref<128x64xf32, #tpu.memory_space<vmem>>, vector<1x16xf32>,
      %get3A_519 = vector.shape_cast %get3A_518 : vector<1x16xf32> to vector<16xf32>
      %mul3A_520 = arith.mulf %get3A_515, %get3A_519 : vector<16xf32>
      %add3A_521 = arith.addf %add3A_481, %mul3A_520 : vector<16xf32>
      %get3A_522 = arith.index_cast %scan3A_466 : i32 to index
      %get3A_523 = arith.constant 16 : index
      %get3A_524 = tpu.vector_load %arg14[%get3A_522, %get3A_523] {strides = array<i32>} : memref<128x64xf32, #tpu.memory_space<vmem>>, vector<1x16xf32>,
      %get3A_525 = vector.shape_cast %get3A_524 : vector<1x16xf32> to vector<16xf32>
      %mul3A_526 = arith.mulf %get3A_515, %get3A_525 : vector<16xf32>
      %add3A_527 = arith.addf %add3A_487, %mul3A_526 : vector<16xf32>
      %get3A_528 = arith.index_cast %scan3A_466 : i32 to index
      %get3A_529 = arith.constant 16 : index
      %get3A_530 = tpu.vector_load %arg15[%get3A_528, %get3A_529] {strides = array<i32>} : memref<128x64xf32, #tpu.memory_space<vmem>>, vector<1x16xf32>,
      %get3A_531 = vector.shape_cast %get3A_530 : vector<1x16xf32> to vector<16xf32>
      %mul3A_532 = arith.mulf %get3A_515, %get3A_531 : vector<16xf32>
      %add3A_533 = arith.addf %add3A_493, %mul3A_532 : vector<16xf32>
      %get3A_534 = arith.index_cast %scan3A_466 : i32 to index
      %get3A_535 = arith.constant 16 : index
      %get3A_536 = tpu.vector_load %arg16[%get3A_534, %get3A_535] {strides = array<i32>} : memref<128x64xf32, #tpu.memory_space<vmem>>, vector<1x16xf32>,
      %get3A_537 = vector.shape_cast %get3A_536 : vector<1x16xf32> to vector<16xf32>
      %mul3A_538 = arith.mulf %get3A_515, %get3A_537 : vector<16xf32>
      %add3A_539 = arith.addf %add3A_499, %mul3A_538 : vector<16xf32>
      %get3A_540 = arith.index_cast %scan3A_466 : i32 to index
      %get3A_541 = arith.constant 16 : index
      %get3A_542 = tpu.vector_load %arg17[%get3A_540, %get3A_541] {strides = array<i32>} : memref<128x64xf32, #tpu.memory_space<vmem>>, vector<1x16xf32>,
      %get3A_543 = vector.shape_cast %get3A_542 : vector<1x16xf32> to vector<16xf32>
      %mul3A_544 = arith.mulf %get3A_515, %get3A_543 : vector<16xf32>
      %add3A_545 = arith.addf %add3A_505, %mul3A_544 : vector<16xf32>
      %get3A_546 = arith.index_cast %scan3A_466 : i32 to index
      %get3A_547 = arith.constant 16 : index
      %get3A_548 = tpu.vector_load %arg18[%get3A_546, %get3A_547] {strides = array<i32>} : memref<128x64xf32, #tpu.memory_space<vmem>>, vector<1x16xf32>,
      %get3A_549 = vector.shape_cast %get3A_548 : vector<1x16xf32> to vector<16xf32>
      %mul3A_550 = arith.mulf %get3A_515, %get3A_549 : vector<16xf32>
      %add3A_551 = arith.addf %add3A_511, %mul3A_550 : vector<16xf32>
      %get3A_552 = arith.index_cast %scan3A_466 : i32 to index
      %get3A_553 = arith.constant 32 : index
      %get3A_554 = tpu.vector_load %arg12[%get3A_552, %get3A_553] {strides = array<i32>} : memref<128x64xf32, #tpu.memory_space<vmem>>, vector<1x16xf32>,
      %get3A_555 = vector.shape_cast %get3A_554 : vector<1x16xf32> to vector<16xf32>
      %get3A_556 = arith.index_cast %scan3A_466 : i32 to index
      %get3A_557 = arith.constant 32 : index
      %get3A_558 = tpu.vector_load %arg13[%get3A_556, %get3A_557] {strides = array<i32>} : memref<128x64xf32, #tpu.memory_space<vmem>>, vector<1x16xf32>,
      %get3A_559 = vector.shape_cast %get3A_558 : vector<1x16xf32> to vector<16xf32>
      %mul3A_560 = arith.mulf %get3A_555, %get3A_559 : vector<16xf32>
      %add3A_561 = arith.addf %add3A_521, %mul3A_560 : vector<16xf32>
      %get3A_562 = arith.index_cast %scan3A_466 : i32 to index
      %get3A_563 = arith.constant 32 : index
      %get3A_564 = tpu.vector_load %arg14[%get3A_562, %get3A_563] {strides = array<i32>} : memref<128x64xf32, #tpu.memory_space<vmem>>, vector<1x16xf32>,
      %get3A_565 = vector.shape_cast %get3A_564 : vector<1x16xf32> to vector<16xf32>
      %mul3A_566 = arith.mulf %get3A_555, %get3A_565 : vector<16xf32>
      %add3A_567 = arith.addf %add3A_527, %mul3A_566 : vector<16xf32>
      %get3A_568 = arith.index_cast %scan3A_466 : i32 to index
      %get3A_569 = arith.constant 32 : index
      %get3A_570 = tpu.vector_load %arg15[%get3A_568, %get3A_569] {strides = array<i32>} : memref<128x64xf32, #tpu.memory_space<vmem>>, vector<1x16xf32>,
      %get3A_571 = vector.shape_cast %get3A_570 : vector<1x16xf32> to vector<16xf32>
      %mul3A_572 = arith.mulf %get3A_555, %get3A_571 : vector<16xf32>
      %add3A_573 = arith.addf %add3A_533, %mul3A_572 : vector<16xf32>
      %get3A_574 = arith.index_cast %scan3A_466 : i32 to index
      %get3A_575 = arith.constant 32 : index
      %get3A_576 = tpu.vector_load %arg16[%get3A_574, %get3A_575] {strides = array<i32>} : memref<128x64xf32, #tpu.memory_space<vmem>>, vector<1x16xf32>,
      %get3A_577 = vector.shape_cast %get3A_576 : vector<1x16xf32> to vector<16xf32>
      %mul3A_578 = arith.mulf %get3A_555, %get3A_577 : vector<16xf32>
      %add3A_579 = arith.addf %add3A_539, %mul3A_578 : vector<16xf32>
      %get3A_580 = arith.index_cast %scan3A_466 : i32 to index
      %get3A_581 = arith.constant 32 : index
      %get3A_582 = tpu.vector_load %arg17[%get3A_580, %get3A_581] {strides = array<i32>} : memref<128x64xf32, #tpu.memory_space<vmem>>, vector<1x16xf32>,
      %get3A_583 = vector.shape_cast %get3A_582 : vector<1x16xf32> to vector<16xf32>
      %mul3A_584 = arith.mulf %get3A_555, %get3A_583 : vector<16xf32>
      %add3A_585 = arith.addf %add3A_545, %mul3A_584 : vector<16xf32>
      %get3A_586 = arith.index_cast %scan3A_466 : i32 to index
      %get3A_587 = arith.constant 32 : index
      %get3A_588 = tpu.vector_load %arg18[%get3A_586, %get3A_587] {strides = array<i32>} : memref<128x64xf32, #tpu.memory_space<vmem>>, vector<1x16xf32>,
      %get3A_589 = vector.shape_cast %get3A_588 : vector<1x16xf32> to vector<16xf32>
      %mul3A_590 = arith.mulf %get3A_555, %get3A_589 : vector<16xf32>
      %add3A_591 = arith.addf %add3A_551, %mul3A_590 : vector<16xf32>
      %get3A_592 = arith.index_cast %scan3A_466 : i32 to index
      %get3A_593 = arith.constant 48 : index
      %get3A_594 = tpu.vector_load %arg12[%get3A_592, %get3A_593] {strides = array<i32>} : memref<128x64xf32, #tpu.memory_space<vmem>>, vector<1x16xf32>,
      %get3A_595 = vector.shape_cast %get3A_594 : vector<1x16xf32> to vector<16xf32>
      %get3A_596 = arith.index_cast %scan3A_466 : i32 to index
      %get3A_597 = arith.constant 48 : index
      %get3A_598 = tpu.vector_load %arg13[%get3A_596, %get3A_597] {strides = array<i32>} : memref<128x64xf32, #tpu.memory_space<vmem>>, vector<1x16xf32>,
      %get3A_599 = vector.shape_cast %get3A_598 : vector<1x16xf32> to vector<16xf32>
      %mul3A_600 = arith.mulf %get3A_595, %get3A_599 : vector<16xf32>
      %add3A_601 = arith.addf %add3A_561, %mul3A_600 : vector<16xf32>
      %get3A_602 = arith.index_cast %scan3A_466 : i32 to index
      %get3A_603 = arith.constant 48 : index
      %get3A_604 = tpu.vector_load %arg14[%get3A_602, %get3A_603] {strides = array<i32>} : memref<128x64xf32, #tpu.memory_space<vmem>>, vector<1x16xf32>,
      %get3A_605 = vector.shape_cast %get3A_604 : vector<1x16xf32> to vector<16xf32>
      %mul3A_606 = arith.mulf %get3A_595, %get3A_605 : vector<16xf32>
      %add3A_607 = arith.addf %add3A_567, %mul3A_606 : vector<16xf32>
      %get3A_608 = arith.index_cast %scan3A_466 : i32 to index
      %get3A_609 = arith.constant 48 : index
      %get3A_610 = tpu.vector_load %arg15[%get3A_608, %get3A_609] {strides = array<i32>} : memref<128x64xf32, #tpu.memory_space<vmem>>, vector<1x16xf32>,
      %get3A_611 = vector.shape_cast %get3A_610 : vector<1x16xf32> to vector<16xf32>
      %mul3A_612 = arith.mulf %get3A_595, %get3A_611 : vector<16xf32>
      %add3A_613 = arith.addf %add3A_573, %mul3A_612 : vector<16xf32>
      %get3A_614 = arith.index_cast %scan3A_466 : i32 to index
      %get3A_615 = arith.constant 48 : index
      %get3A_616 = tpu.vector_load %arg16[%get3A_614, %get3A_615] {strides = array<i32>} : memref<128x64xf32, #tpu.memory_space<vmem>>, vector<1x16xf32>,
      %get3A_617 = vector.shape_cast %get3A_616 : vector<1x16xf32> to vector<16xf32>
      %mul3A_618 = arith.mulf %get3A_595, %get3A_617 : vector<16xf32>
      %add3A_619 = arith.addf %add3A_579, %mul3A_618 : vector<16xf32>
      %get3A_620 = arith.index_cast %scan3A_466 : i32 to index
      %get3A_621 = arith.constant 48 : index
      %get3A_622 = tpu.vector_load %arg17[%get3A_620, %get3A_621] {strides = array<i32>} : memref<128x64xf32, #tpu.memory_space<vmem>>, vector<1x16xf32>,
      %get3A_623 = vector.shape_cast %get3A_622 : vector<1x16xf32> to vector<16xf32>
      %mul3A_624 = arith.mulf %get3A_595, %get3A_623 : vector<16xf32>
      %add3A_625 = arith.addf %add3A_585, %mul3A_624 : vector<16xf32>
      %get3A_626 = arith.index_cast %scan3A_466 : i32 to index
      %get3A_627 = arith.constant 48 : index
      %get3A_628 = tpu.vector_load %arg18[%get3A_626, %get3A_627] {strides = array<i32>} : memref<128x64xf32, #tpu.memory_space<vmem>>, vector<1x16xf32>,
      %get3A_629 = vector.shape_cast %get3A_628 : vector<1x16xf32> to vector<16xf32>
      %mul3A_630 = arith.mulf %get3A_595, %get3A_629 : vector<16xf32>
      %add3A_631 = arith.addf %add3A_591, %mul3A_630 : vector<16xf32>
      scf.yield %add3A_601, %add3A_607, %add3A_613, %add3A_619, %add3A_625, %add3A_631 : vector<16xf32>, vector<16xf32>, vector<16xf32>, vector<16xf32>, vector<16xf32>, vector<16xf32>
    }
    %scan3A_166 = arith.constant 128 : i32
    %dma_wait3A_167 = arith.constant 1 : i32
    %dma_wait3A_168 = arith.constant 0 : i32
    %dma_wait3A_169 = tpu.memref_slice %arg9[%dma_wait3A_167, %dma_wait3A_168] : memref<4x128xi32, #tpu.memory_space<vmem>> -> memref<1x128xi32, #tpu.memory_space<vmem>>
    %dma_wait3A_170 = tpu.memref_squeeze %dma_wait3A_169 : memref<1x128xi32, #tpu.memory_space<vmem>> -> memref<128xi32, #tpu.memory_space<vmem>>
    %dma_wait3A_171 = arith.constant 0 : i32
    %dma_wait3A_172 = arith.constant 0 : i32
    %dma_wait3A_173 = tpu.memref_slice %arg2[%dma_wait3A_171, %dma_wait3A_172] : memref<1000000x64xf32, #tpu.memory_space<hbm>> -> memref<1000000x64xf32, #tpu.memory_space<hbm>>
    tpu.wait_indirect_dma semaphore(%arg28 : memref<!tpu.dma_semaphore, #tpu.memory_space<semaphore_mem>>) src(%dma_wait3A_173 : memref<1000000x64xf32, #tpu.memory_space<hbm>>) dst(%arg19 : memref<128x64xf32, #tpu.memory_space<vmem>>)
    %dma_wait3A_174 = arith.constant 1 : i32
    %dma_wait3A_175 = arith.constant 0 : i32
    %dma_wait3A_176 = tpu.memref_slice %arg10[%dma_wait3A_174, %dma_wait3A_175] : memref<4x128xi32, #tpu.memory_space<vmem>> -> memref<1x128xi32, #tpu.memory_space<vmem>>
    %dma_wait3A_177 = tpu.memref_squeeze %dma_wait3A_176 : memref<1x128xi32, #tpu.memory_space<vmem>> -> memref<128xi32, #tpu.memory_space<vmem>>
    %dma_wait3A_178 = arith.constant 0 : i32
    %dma_wait3A_179 = arith.constant 0 : i32
    %dma_wait3A_180 = tpu.memref_slice %arg3[%dma_wait3A_178, %dma_wait3A_179] : memref<1000000x64xf32, #tpu.memory_space<hbm>> -> memref<1000000x64xf32, #tpu.memory_space<hbm>>
    tpu.wait_indirect_dma semaphore(%arg28 : memref<!tpu.dma_semaphore, #tpu.memory_space<semaphore_mem>>) src(%dma_wait3A_180 : memref<1000000x64xf32, #tpu.memory_space<hbm>>) dst(%arg20 : memref<128x64xf32, #tpu.memory_space<vmem>>)
    %dma_wait3A_181 = arith.constant 0 : i32
    %dma_wait3A_182 = arith.constant 1 : i32
    %dma_wait3A_183 = arith.constant 0 : i32
    %dma_wait3A_184 = tpu.memref_slice %arg11[%dma_wait3A_181, %dma_wait3A_182, %dma_wait3A_183] : memref<5x4x128xi32, #tpu.memory_space<vmem>> -> memref<1x1x128xi32, #tpu.memory_space<vmem>>
    %dma_wait3A_185 = tpu.memref_squeeze %dma_wait3A_184 : memref<1x1x128xi32, #tpu.memory_space<vmem>> -> memref<128xi32, #tpu.memory_space<vmem>>
    %dma_wait3A_186 = arith.constant 0 : i32
    %dma_wait3A_187 = arith.constant 0 : i32
    %dma_wait3A_188 = tpu.memref_slice %arg3[%dma_wait3A_186, %dma_wait3A_187] : memref<1000000x64xf32, #tpu.memory_space<hbm>> -> memref<1000000x64xf32, #tpu.memory_space<hbm>>
    tpu.wait_indirect_dma semaphore(%arg28 : memref<!tpu.dma_semaphore, #tpu.memory_space<semaphore_mem>>) src(%dma_wait3A_188 : memref<1000000x64xf32, #tpu.memory_space<hbm>>) dst(%arg21 : memref<128x64xf32, #tpu.memory_space<vmem>>)
    %dma_wait3A_189 = arith.constant 1 : i32
    %dma_wait3A_190 = arith.constant 1 : i32
    %dma_wait3A_191 = arith.constant 0 : i32
    %dma_wait3A_192 = tpu.memref_slice %arg11[%dma_wait3A_189, %dma_wait3A_190, %dma_wait3A_191] : memref<5x4x128xi32, #tpu.memory_space<vmem>> -> memref<1x1x128xi32, #tpu.memory_space<vmem>>
    %dma_wait3A_193 = tpu.memref_squeeze %dma_wait3A_192 : memref<1x1x128xi32, #tpu.memory_space<vmem>> -> memref<128xi32, #tpu.memory_space<vmem>>
    %dma_wait3A_194 = arith.constant 0 : i32
    %dma_wait3A_195 = arith.constant 0 : i32
    %dma_wait3A_196 = tpu.memref_slice %arg3[%dma_wait3A_194, %dma_wait3A_195] : memref<1000000x64xf32, #tpu.memory_space<hbm>> -> memref<1000000x64xf32, #tpu.memory_space<hbm>>
    tpu.wait_indirect_dma semaphore(%arg28 : memref<!tpu.dma_semaphore, #tpu.memory_space<semaphore_mem>>) src(%dma_wait3A_196 : memref<1000000x64xf32, #tpu.memory_space<hbm>>) dst(%arg22 : memref<128x64xf32, #tpu.memory_space<vmem>>)
    %dma_wait3A_197 = arith.constant 2 : i32
    %dma_wait3A_198 = arith.constant 1 : i32
    %dma_wait3A_199 = arith.constant 0 : i32
    %dma_wait3A_200 = tpu.memref_slice %arg11[%dma_wait3A_197, %dma_wait3A_198, %dma_wait3A_199] : memref<5x4x128xi32, #tpu.memory_space<vmem>> -> memref<1x1x128xi32, #tpu.memory_space<vmem>>
    %dma_wait3A_201 = tpu.memref_squeeze %dma_wait3A_200 : memref<1x1x128xi32, #tpu.memory_space<vmem>> -> memref<128xi32, #tpu.memory_space<vmem>>
    %dma_wait3A_202 = arith.constant 0 : i32
    %dma_wait3A_203 = arith.constant 0 : i32
    %dma_wait3A_204 = tpu.memref_slice %arg3[%dma_wait3A_202, %dma_wait3A_203] : memref<1000000x64xf32, #tpu.memory_space<hbm>> -> memref<1000000x64xf32, #tpu.memory_space<hbm>>
    tpu.wait_indirect_dma semaphore(%arg28 : memref<!tpu.dma_semaphore, #tpu.memory_space<semaphore_mem>>) src(%dma_wait3A_204 : memref<1000000x64xf32, #tpu.memory_space<hbm>>) dst(%arg23 : memref<128x64xf32, #tpu.memory_space<vmem>>)
    %dma_wait3A_205 = arith.constant 3 : i32
    %dma_wait3A_206 = arith.constant 1 : i32
    %dma_wait3A_207 = arith.constant 0 : i32
    %dma_wait3A_208 = tpu.memref_slice %arg11[%dma_wait3A_205, %dma_wait3A_206, %dma_wait3A_207] : memref<5x4x128xi32, #tpu.memory_space<vmem>> -> memref<1x1x128xi32, #tpu.memory_space<vmem>>
    %dma_wait3A_209 = tpu.memref_squeeze %dma_wait3A_208 : memref<1x1x128xi32, #tpu.memory_space<vmem>> -> memref<128xi32, #tpu.memory_space<vmem>>
    %dma_wait3A_210 = arith.constant 0 : i32
    %dma_wait3A_211 = arith.constant 0 : i32
    %dma_wait3A_212 = tpu.memref_slice %arg3[%dma_wait3A_210, %dma_wait3A_211] : memref<1000000x64xf32, #tpu.memory_space<hbm>> -> memref<1000000x64xf32, #tpu.memory_space<hbm>>
    tpu.wait_indirect_dma semaphore(%arg28 : memref<!tpu.dma_semaphore, #tpu.memory_space<semaphore_mem>>) src(%dma_wait3A_212 : memref<1000000x64xf32, #tpu.memory_space<hbm>>) dst(%arg24 : memref<128x64xf32, #tpu.memory_space<vmem>>)
    %dma_wait3A_213 = arith.constant 4 : i32
    %dma_wait3A_214 = arith.constant 1 : i32
    %dma_wait3A_215 = arith.constant 0 : i32
    %dma_wait3A_216 = tpu.memref_slice %arg11[%dma_wait3A_213, %dma_wait3A_214, %dma_wait3A_215] : memref<5x4x128xi32, #tpu.memory_space<vmem>> -> memref<1x1x128xi32, #tpu.memory_space<vmem>>
    %dma_wait3A_217 = tpu.memref_squeeze %dma_wait3A_216 : memref<1x1x128xi32, #tpu.memory_space<vmem>> -> memref<128xi32, #tpu.memory_space<vmem>>
    %dma_wait3A_218 = arith.constant 0 : i32
    %dma_wait3A_219 = arith.constant 0 : i32
    %dma_wait3A_220 = tpu.memref_slice %arg3[%dma_wait3A_218, %dma_wait3A_219] : memref<1000000x64xf32, #tpu.memory_space<hbm>> -> memref<1000000x64xf32, #tpu.memory_space<hbm>>
    tpu.wait_indirect_dma semaphore(%arg28 : memref<!tpu.dma_semaphore, #tpu.memory_space<semaphore_mem>>) src(%dma_wait3A_220 : memref<1000000x64xf32, #tpu.memory_space<hbm>>) dst(%arg25 : memref<128x64xf32, #tpu.memory_space<vmem>>)
    %dma_start3A_221 = arith.constant 2 : i32
    %dma_start3A_222 = arith.constant 0 : i32
    %dma_start3A_223 = tpu.memref_slice %arg9[%dma_start3A_221, %dma_start3A_222] : memref<4x128xi32, #tpu.memory_space<vmem>> -> memref<1x128xi32, #tpu.memory_space<vmem>>
    %dma_start3A_224 = tpu.memref_squeeze %dma_start3A_223 : memref<1x128xi32, #tpu.memory_space<vmem>> -> memref<128xi32, #tpu.memory_space<vmem>>
    %dma_start3A_225 = arith.constant 0 : i32
    %dma_start3A_226 = arith.constant 0 : i32
    %dma_start3A_227 = tpu.memref_slice %arg2[%dma_start3A_225, %dma_start3A_226] : memref<1000000x64xf32, #tpu.memory_space<hbm>> -> memref<1000000x64xf32, #tpu.memory_space<hbm>>
    tpu.enqueue_indirect_dma source(%dma_start3A_227 : memref<1000000x64xf32, #tpu.memory_space<hbm>>) target(%arg12 : memref<128x64xf32, #tpu.memory_space<vmem>>) offsets(%dma_start3A_224 : memref<128xi32, #tpu.memory_space<vmem>>) semaphore(%arg27 : memref<!tpu.dma_semaphore, #tpu.memory_space<semaphore_mem>>)
    %dma_start3A_228 = arith.constant 2 : i32
    %dma_start3A_229 = arith.constant 0 : i32
    %dma_start3A_230 = tpu.memref_slice %arg10[%dma_start3A_228, %dma_start3A_229] : memref<4x128xi32, #tpu.memory_space<vmem>> -> memref<1x128xi32, #tpu.memory_space<vmem>>
    %dma_start3A_231 = tpu.memref_squeeze %dma_start3A_230 : memref<1x128xi32, #tpu.memory_space<vmem>> -> memref<128xi32, #tpu.memory_space<vmem>>
    %dma_start3A_232 = arith.constant 0 : i32
    %dma_start3A_233 = arith.constant 0 : i32
    %dma_start3A_234 = tpu.memref_slice %arg3[%dma_start3A_232, %dma_start3A_233] : memref<1000000x64xf32, #tpu.memory_space<hbm>> -> memref<1000000x64xf32, #tpu.memory_space<hbm>>
    tpu.enqueue_indirect_dma source(%dma_start3A_234 : memref<1000000x64xf32, #tpu.memory_space<hbm>>) target(%arg13 : memref<128x64xf32, #tpu.memory_space<vmem>>) offsets(%dma_start3A_231 : memref<128xi32, #tpu.memory_space<vmem>>) semaphore(%arg27 : memref<!tpu.dma_semaphore, #tpu.memory_space<semaphore_mem>>)
    %dma_start3A_235 = arith.constant 0 : i32
    %dma_start3A_236 = arith.constant 2 : i32
    %dma_start3A_237 = arith.constant 0 : i32
    %dma_start3A_238 = tpu.memref_slice %arg11[%dma_start3A_235, %dma_start3A_236, %dma_start3A_237] : memref<5x4x128xi32, #tpu.memory_space<vmem>> -> memref<1x1x128xi32, #tpu.memory_space<vmem>>
    %dma_start3A_239 = tpu.memref_squeeze %dma_start3A_238 : memref<1x1x128xi32, #tpu.memory_space<vmem>> -> memref<128xi32, #tpu.memory_space<vmem>>
    %dma_start3A_240 = arith.constant 0 : i32
    %dma_start3A_241 = arith.constant 0 : i32
    %dma_start3A_242 = tpu.memref_slice %arg3[%dma_start3A_240, %dma_start3A_241] : memref<1000000x64xf32, #tpu.memory_space<hbm>> -> memref<1000000x64xf32, #tpu.memory_space<hbm>>
    tpu.enqueue_indirect_dma source(%dma_start3A_242 : memref<1000000x64xf32, #tpu.memory_space<hbm>>) target(%arg14 : memref<128x64xf32, #tpu.memory_space<vmem>>) offsets(%dma_start3A_239 : memref<128xi32, #tpu.memory_space<vmem>>) semaphore(%arg27 : memref<!tpu.dma_semaphore, #tpu.memory_space<semaphore_mem>>)
    %dma_start3A_243 = arith.constant 1 : i32
    %dma_start3A_244 = arith.constant 2 : i32
    %dma_start3A_245 = arith.constant 0 : i32
    %dma_start3A_246 = tpu.memref_slice %arg11[%dma_start3A_243, %dma_start3A_244, %dma_start3A_245] : memref<5x4x128xi32, #tpu.memory_space<vmem>> -> memref<1x1x128xi32, #tpu.memory_space<vmem>>
    %dma_start3A_247 = tpu.memref_squeeze %dma_start3A_246 : memref<1x1x128xi32, #tpu.memory_space<vmem>> -> memref<128xi32, #tpu.memory_space<vmem>>
    %dma_start3A_248 = arith.constant 0 : i32
    %dma_start3A_249 = arith.constant 0 : i32
    %dma_start3A_250 = tpu.memref_slice %arg3[%dma_start3A_248, %dma_start3A_249] : memref<1000000x64xf32, #tpu.memory_space<hbm>> -> memref<1000000x64xf32, #tpu.memory_space<hbm>>
    tpu.enqueue_indirect_dma source(%dma_start3A_250 : memref<1000000x64xf32, #tpu.memory_space<hbm>>) target(%arg15 : memref<128x64xf32, #tpu.memory_space<vmem>>) offsets(%dma_start3A_247 : memref<128xi32, #tpu.memory_space<vmem>>) semaphore(%arg27 : memref<!tpu.dma_semaphore, #tpu.memory_space<semaphore_mem>>)
    %dma_start3A_251 = arith.constant 2 : i32
    %dma_start3A_252 = arith.constant 2 : i32
    %dma_start3A_253 = arith.constant 0 : i32
    %dma_start3A_254 = tpu.memref_slice %arg11[%dma_start3A_251, %dma_start3A_252, %dma_start3A_253] : memref<5x4x128xi32, #tpu.memory_space<vmem>> -> memref<1x1x128xi32, #tpu.memory_space<vmem>>
    %dma_start3A_255 = tpu.memref_squeeze %dma_start3A_254 : memref<1x1x128xi32, #tpu.memory_space<vmem>> -> memref<128xi32, #tpu.memory_space<vmem>>
    %dma_start3A_256 = arith.constant 0 : i32
    %dma_start3A_257 = arith.constant 0 : i32
    %dma_start3A_258 = tpu.memref_slice %arg3[%dma_start3A_256, %dma_start3A_257] : memref<1000000x64xf32, #tpu.memory_space<hbm>> -> memref<1000000x64xf32, #tpu.memory_space<hbm>>
    tpu.enqueue_indirect_dma source(%dma_start3A_258 : memref<1000000x64xf32, #tpu.memory_space<hbm>>) target(%arg16 : memref<128x64xf32, #tpu.memory_space<vmem>>) offsets(%dma_start3A_255 : memref<128xi32, #tpu.memory_space<vmem>>) semaphore(%arg27 : memref<!tpu.dma_semaphore, #tpu.memory_space<semaphore_mem>>)
    %dma_start3A_259 = arith.constant 3 : i32
    %dma_start3A_260 = arith.constant 2 : i32
    %dma_start3A_261 = arith.constant 0 : i32
    %dma_start3A_262 = tpu.memref_slice %arg11[%dma_start3A_259, %dma_start3A_260, %dma_start3A_261] : memref<5x4x128xi32, #tpu.memory_space<vmem>> -> memref<1x1x128xi32, #tpu.memory_space<vmem>>
    %dma_start3A_263 = tpu.memref_squeeze %dma_start3A_262 : memref<1x1x128xi32, #tpu.memory_space<vmem>> -> memref<128xi32, #tpu.memory_space<vmem>>
    %dma_start3A_264 = arith.constant 0 : i32
    %dma_start3A_265 = arith.constant 0 : i32
    %dma_start3A_266 = tpu.memref_slice %arg3[%dma_start3A_264, %dma_start3A_265] : memref<1000000x64xf32, #tpu.memory_space<hbm>> -> memref<1000000x64xf32, #tpu.memory_space<hbm>>
    tpu.enqueue_indirect_dma source(%dma_start3A_266 : memref<1000000x64xf32, #tpu.memory_space<hbm>>) target(%arg17 : memref<128x64xf32, #tpu.memory_space<vmem>>) offsets(%dma_start3A_263 : memref<128xi32, #tpu.memory_space<vmem>>) semaphore(%arg27 : memref<!tpu.dma_semaphore, #tpu.memory_space<semaphore_mem>>)
    %dma_start3A_267 = arith.constant 4 : i32
    %dma_start3A_268 = arith.constant 2 : i32
    %dma_start3A_269 = arith.constant 0 : i32
    %dma_start3A_270 = tpu.memref_slice %arg11[%dma_start3A_267, %dma_start3A_268, %dma_start3A_269] : memref<5x4x128xi32, #tpu.memory_space<vmem>> -> memref<1x1x128xi32, #tpu.memory_space<vmem>>
    %dma_start3A_271 = tpu.memref_squeeze %dma_start3A_270 : memref<1x1x128xi32, #tpu.memory_space<vmem>> -> memref<128xi32, #tpu.memory_space<vmem>>
    %dma_start3A_272 = arith.constant 0 : i32
    %dma_start3A_273 = arith.constant 0 : i32
    %dma_start3A_274 = tpu.memref_slice %arg3[%dma_start3A_272, %dma_start3A_273] : memref<1000000x64xf32, #tpu.memory_space<hbm>> -> memref<1000000x64xf32, #tpu.memory_space<hbm>>
    tpu.enqueue_indirect_dma source(%dma_start3A_274 : memref<1000000x64xf32, #tpu.memory_space<hbm>>) target(%arg18 : memref<128x64xf32, #tpu.memory_space<vmem>>) offsets(%dma_start3A_271 : memref<128xi32, #tpu.memory_space<vmem>>) semaphore(%arg27 : memref<!tpu.dma_semaphore, #tpu.memory_space<semaphore_mem>>)
    %scan3A_275 = arith.constant 0 : i32
    %scan3A_276 = arith.constant 128 : i32
    %scan3A_277 = arith.addi %scan3A_275, %scan3A_276 : i32
    %scan3A_278 = arith.constant 1 : i32
    %scan3A_279:6 = scf.for %scan3A_466 = %scan3A_275 to %scan3A_277 step %scan3A_278 iter_args(%scan3A_467 = %scan3A_165#0, %scan3A_468 = %scan3A_165#1, %scan3A_469 = %scan3A_165#2, %scan3A_470 = %scan3A_165#3, %scan3A_471 = %scan3A_165#4, %scan3A_472 = %scan3A_165#5) -> (vector<16xf32>, vector<16xf32>, vector<16xf32>, vector<16xf32>, vector<16xf32>, vector<16xf32>)  : i32 {
      %get3A = arith.index_cast %scan3A_466 : i32 to index
      %get3A_473 = arith.constant 0 : index
      %get3A_474 = tpu.vector_load %arg19[%get3A, %get3A_473] {strides = array<i32>} : memref<128x64xf32, #tpu.memory_space<vmem>>, vector<1x16xf32>,
      %get3A_475 = vector.shape_cast %get3A_474 : vector<1x16xf32> to vector<16xf32>
      %get3A_476 = arith.index_cast %scan3A_466 : i32 to index
      %get3A_477 = arith.constant 0 : index
      %get3A_478 = tpu.vector_load %arg20[%get3A_476, %get3A_477] {strides = array<i32>} : memref<128x64xf32, #tpu.memory_space<vmem>>, vector<1x16xf32>,
      %get3A_479 = vector.shape_cast %get3A_478 : vector<1x16xf32> to vector<16xf32>
      %mul3A_480 = arith.mulf %get3A_475, %get3A_479 : vector<16xf32>
      %add3A_481 = arith.addf %scan3A_467, %mul3A_480 : vector<16xf32>
      %get3A_482 = arith.index_cast %scan3A_466 : i32 to index
      %get3A_483 = arith.constant 0 : index
      %get3A_484 = tpu.vector_load %arg21[%get3A_482, %get3A_483] {strides = array<i32>} : memref<128x64xf32, #tpu.memory_space<vmem>>, vector<1x16xf32>,
      %get3A_485 = vector.shape_cast %get3A_484 : vector<1x16xf32> to vector<16xf32>
      %mul3A_486 = arith.mulf %get3A_475, %get3A_485 : vector<16xf32>
      %add3A_487 = arith.addf %scan3A_468, %mul3A_486 : vector<16xf32>
      %get3A_488 = arith.index_cast %scan3A_466 : i32 to index
      %get3A_489 = arith.constant 0 : index
      %get3A_490 = tpu.vector_load %arg22[%get3A_488, %get3A_489] {strides = array<i32>} : memref<128x64xf32, #tpu.memory_space<vmem>>, vector<1x16xf32>,
      %get3A_491 = vector.shape_cast %get3A_490 : vector<1x16xf32> to vector<16xf32>
      %mul3A_492 = arith.mulf %get3A_475, %get3A_491 : vector<16xf32>
      %add3A_493 = arith.addf %scan3A_469, %mul3A_492 : vector<16xf32>
      %get3A_494 = arith.index_cast %scan3A_466 : i32 to index
      %get3A_495 = arith.constant 0 : index
      %get3A_496 = tpu.vector_load %arg23[%get3A_494, %get3A_495] {strides = array<i32>} : memref<128x64xf32, #tpu.memory_space<vmem>>, vector<1x16xf32>,
      %get3A_497 = vector.shape_cast %get3A_496 : vector<1x16xf32> to vector<16xf32>
      %mul3A_498 = arith.mulf %get3A_475, %get3A_497 : vector<16xf32>
      %add3A_499 = arith.addf %scan3A_470, %mul3A_498 : vector<16xf32>
      %get3A_500 = arith.index_cast %scan3A_466 : i32 to index
      %get3A_501 = arith.constant 0 : index
      %get3A_502 = tpu.vector_load %arg24[%get3A_500, %get3A_501] {strides = array<i32>} : memref<128x64xf32, #tpu.memory_space<vmem>>, vector<1x16xf32>,
      %get3A_503 = vector.shape_cast %get3A_502 : vector<1x16xf32> to vector<16xf32>
      %mul3A_504 = arith.mulf %get3A_475, %get3A_503 : vector<16xf32>
      %add3A_505 = arith.addf %scan3A_471, %mul3A_504 : vector<16xf32>
      %get3A_506 = arith.index_cast %scan3A_466 : i32 to index
      %get3A_507 = arith.constant 0 : index
      %get3A_508 = tpu.vector_load %arg25[%get3A_506, %get3A_507] {strides = array<i32>} : memref<128x64xf32, #tpu.memory_space<vmem>>, vector<1x16xf32>,
      %get3A_509 = vector.shape_cast %get3A_508 : vector<1x16xf32> to vector<16xf32>
      %mul3A_510 = arith.mulf %get3A_475, %get3A_509 : vector<16xf32>
      %add3A_511 = arith.addf %scan3A_472, %mul3A_510 : vector<16xf32>
      %get3A_512 = arith.index_cast %scan3A_466 : i32 to index
      %get3A_513 = arith.constant 16 : index
      %get3A_514 = tpu.vector_load %arg19[%get3A_512, %get3A_513] {strides = array<i32>} : memref<128x64xf32, #tpu.memory_space<vmem>>, vector<1x16xf32>,
      %get3A_515 = vector.shape_cast %get3A_514 : vector<1x16xf32> to vector<16xf32>
      %get3A_516 = arith.index_cast %scan3A_466 : i32 to index
      %get3A_517 = arith.constant 16 : index
      %get3A_518 = tpu.vector_load %arg20[%get3A_516, %get3A_517] {strides = array<i32>} : memref<128x64xf32, #tpu.memory_space<vmem>>, vector<1x16xf32>,
      %get3A_519 = vector.shape_cast %get3A_518 : vector<1x16xf32> to vector<16xf32>
      %mul3A_520 = arith.mulf %get3A_515, %get3A_519 : vector<16xf32>
      %add3A_521 = arith.addf %add3A_481, %mul3A_520 : vector<16xf32>
      %get3A_522 = arith.index_cast %scan3A_466 : i32 to index
      %get3A_523 = arith.constant 16 : index
      %get3A_524 = tpu.vector_load %arg21[%get3A_522, %get3A_523] {strides = array<i32>} : memref<128x64xf32, #tpu.memory_space<vmem>>, vector<1x16xf32>,
      %get3A_525 = vector.shape_cast %get3A_524 : vector<1x16xf32> to vector<16xf32>
      %mul3A_526 = arith.mulf %get3A_515, %get3A_525 : vector<16xf32>
      %add3A_527 = arith.addf %add3A_487, %mul3A_526 : vector<16xf32>
      %get3A_528 = arith.index_cast %scan3A_466 : i32 to index
      %get3A_529 = arith.constant 16 : index
      %get3A_530 = tpu.vector_load %arg22[%get3A_528, %get3A_529] {strides = array<i32>} : memref<128x64xf32, #tpu.memory_space<vmem>>, vector<1x16xf32>,
      %get3A_531 = vector.shape_cast %get3A_530 : vector<1x16xf32> to vector<16xf32>
      %mul3A_532 = arith.mulf %get3A_515, %get3A_531 : vector<16xf32>
      %add3A_533 = arith.addf %add3A_493, %mul3A_532 : vector<16xf32>
      %get3A_534 = arith.index_cast %scan3A_466 : i32 to index
      %get3A_535 = arith.constant 16 : index
      %get3A_536 = tpu.vector_load %arg23[%get3A_534, %get3A_535] {strides = array<i32>} : memref<128x64xf32, #tpu.memory_space<vmem>>, vector<1x16xf32>,
      %get3A_537 = vector.shape_cast %get3A_536 : vector<1x16xf32> to vector<16xf32>
      %mul3A_538 = arith.mulf %get3A_515, %get3A_537 : vector<16xf32>
      %add3A_539 = arith.addf %add3A_499, %mul3A_538 : vector<16xf32>
      %get3A_540 = arith.index_cast %scan3A_466 : i32 to index
      %get3A_541 = arith.constant 16 : index
      %get3A_542 = tpu.vector_load %arg24[%get3A_540, %get3A_541] {strides = array<i32>} : memref<128x64xf32, #tpu.memory_space<vmem>>, vector<1x16xf32>,
      %get3A_543 = vector.shape_cast %get3A_542 : vector<1x16xf32> to vector<16xf32>
      %mul3A_544 = arith.mulf %get3A_515, %get3A_543 : vector<16xf32>
      %add3A_545 = arith.addf %add3A_505, %mul3A_544 : vector<16xf32>
      %get3A_546 = arith.index_cast %scan3A_466 : i32 to index
      %get3A_547 = arith.constant 16 : index
      %get3A_548 = tpu.vector_load %arg25[%get3A_546, %get3A_547] {strides = array<i32>} : memref<128x64xf32, #tpu.memory_space<vmem>>, vector<1x16xf32>,
      %get3A_549 = vector.shape_cast %get3A_548 : vector<1x16xf32> to vector<16xf32>
      %mul3A_550 = arith.mulf %get3A_515, %get3A_549 : vector<16xf32>
      %add3A_551 = arith.addf %add3A_511, %mul3A_550 : vector<16xf32>
      %get3A_552 = arith.index_cast %scan3A_466 : i32 to index
      %get3A_553 = arith.constant 32 : index
      %get3A_554 = tpu.vector_load %arg19[%get3A_552, %get3A_553] {strides = array<i32>} : memref<128x64xf32, #tpu.memory_space<vmem>>, vector<1x16xf32>,
      %get3A_555 = vector.shape_cast %get3A_554 : vector<1x16xf32> to vector<16xf32>
      %get3A_556 = arith.index_cast %scan3A_466 : i32 to index
      %get3A_557 = arith.constant 32 : index
      %get3A_558 = tpu.vector_load %arg20[%get3A_556, %get3A_557] {strides = array<i32>} : memref<128x64xf32, #tpu.memory_space<vmem>>, vector<1x16xf32>,
      %get3A_559 = vector.shape_cast %get3A_558 : vector<1x16xf32> to vector<16xf32>
      %mul3A_560 = arith.mulf %get3A_555, %get3A_559 : vector<16xf32>
      %add3A_561 = arith.addf %add3A_521, %mul3A_560 : vector<16xf32>
      %get3A_562 = arith.index_cast %scan3A_466 : i32 to index
      %get3A_563 = arith.constant 32 : index
      %get3A_564 = tpu.vector_load %arg21[%get3A_562, %get3A_563] {strides = array<i32>} : memref<128x64xf32, #tpu.memory_space<vmem>>, vector<1x16xf32>,
      %get3A_565 = vector.shape_cast %get3A_564 : vector<1x16xf32> to vector<16xf32>
      %mul3A_566 = arith.mulf %get3A_555, %get3A_565 : vector<16xf32>
      %add3A_567 = arith.addf %add3A_527, %mul3A_566 : vector<16xf32>
      %get3A_568 = arith.index_cast %scan3A_466 : i32 to index
      %get3A_569 = arith.constant 32 : index
      %get3A_570 = tpu.vector_load %arg22[%get3A_568, %get3A_569] {strides = array<i32>} : memref<128x64xf32, #tpu.memory_space<vmem>>, vector<1x16xf32>,
      %get3A_571 = vector.shape_cast %get3A_570 : vector<1x16xf32> to vector<16xf32>
      %mul3A_572 = arith.mulf %get3A_555, %get3A_571 : vector<16xf32>
      %add3A_573 = arith.addf %add3A_533, %mul3A_572 : vector<16xf32>
      %get3A_574 = arith.index_cast %scan3A_466 : i32 to index
      %get3A_575 = arith.constant 32 : index
      %get3A_576 = tpu.vector_load %arg23[%get3A_574, %get3A_575] {strides = array<i32>} : memref<128x64xf32, #tpu.memory_space<vmem>>, vector<1x16xf32>,
      %get3A_577 = vector.shape_cast %get3A_576 : vector<1x16xf32> to vector<16xf32>
      %mul3A_578 = arith.mulf %get3A_555, %get3A_577 : vector<16xf32>
      %add3A_579 = arith.addf %add3A_539, %mul3A_578 : vector<16xf32>
      %get3A_580 = arith.index_cast %scan3A_466 : i32 to index
      %get3A_581 = arith.constant 32 : index
      %get3A_582 = tpu.vector_load %arg24[%get3A_580, %get3A_581] {strides = array<i32>} : memref<128x64xf32, #tpu.memory_space<vmem>>, vector<1x16xf32>,
      %get3A_583 = vector.shape_cast %get3A_582 : vector<1x16xf32> to vector<16xf32>
      %mul3A_584 = arith.mulf %get3A_555, %get3A_583 : vector<16xf32>
      %add3A_585 = arith.addf %add3A_545, %mul3A_584 : vector<16xf32>
      %get3A_586 = arith.index_cast %scan3A_466 : i32 to index
      %get3A_587 = arith.constant 32 : index
      %get3A_588 = tpu.vector_load %arg25[%get3A_586, %get3A_587] {strides = array<i32>} : memref<128x64xf32, #tpu.memory_space<vmem>>, vector<1x16xf32>,
      %get3A_589 = vector.shape_cast %get3A_588 : vector<1x16xf32> to vector<16xf32>
      %mul3A_590 = arith.mulf %get3A_555, %get3A_589 : vector<16xf32>
      %add3A_591 = arith.addf %add3A_551, %mul3A_590 : vector<16xf32>
      %get3A_592 = arith.index_cast %scan3A_466 : i32 to index
      %get3A_593 = arith.constant 48 : index
      %get3A_594 = tpu.vector_load %arg19[%get3A_592, %get3A_593] {strides = array<i32>} : memref<128x64xf32, #tpu.memory_space<vmem>>, vector<1x16xf32>,
      %get3A_595 = vector.shape_cast %get3A_594 : vector<1x16xf32> to vector<16xf32>
      %get3A_596 = arith.index_cast %scan3A_466 : i32 to index
      %get3A_597 = arith.constant 48 : index
      %get3A_598 = tpu.vector_load %arg20[%get3A_596, %get3A_597] {strides = array<i32>} : memref<128x64xf32, #tpu.memory_space<vmem>>, vector<1x16xf32>,
      %get3A_599 = vector.shape_cast %get3A_598 : vector<1x16xf32> to vector<16xf32>
      %mul3A_600 = arith.mulf %get3A_595, %get3A_599 : vector<16xf32>
      %add3A_601 = arith.addf %add3A_561, %mul3A_600 : vector<16xf32>
      %get3A_602 = arith.index_cast %scan3A_466 : i32 to index
      %get3A_603 = arith.constant 48 : index
      %get3A_604 = tpu.vector_load %arg21[%get3A_602, %get3A_603] {strides = array<i32>} : memref<128x64xf32, #tpu.memory_space<vmem>>, vector<1x16xf32>,
      %get3A_605 = vector.shape_cast %get3A_604 : vector<1x16xf32> to vector<16xf32>
      %mul3A_606 = arith.mulf %get3A_595, %get3A_605 : vector<16xf32>
      %add3A_607 = arith.addf %add3A_567, %mul3A_606 : vector<16xf32>
      %get3A_608 = arith.index_cast %scan3A_466 : i32 to index
      %get3A_609 = arith.constant 48 : index
      %get3A_610 = tpu.vector_load %arg22[%get3A_608, %get3A_609] {strides = array<i32>} : memref<128x64xf32, #tpu.memory_space<vmem>>, vector<1x16xf32>,
      %get3A_611 = vector.shape_cast %get3A_610 : vector<1x16xf32> to vector<16xf32>
      %mul3A_612 = arith.mulf %get3A_595, %get3A_611 : vector<16xf32>
      %add3A_613 = arith.addf %add3A_573, %mul3A_612 : vector<16xf32>
      %get3A_614 = arith.index_cast %scan3A_466 : i32 to index
      %get3A_615 = arith.constant 48 : index
      %get3A_616 = tpu.vector_load %arg23[%get3A_614, %get3A_615] {strides = array<i32>} : memref<128x64xf32, #tpu.memory_space<vmem>>, vector<1x16xf32>,
      %get3A_617 = vector.shape_cast %get3A_616 : vector<1x16xf32> to vector<16xf32>
      %mul3A_618 = arith.mulf %get3A_595, %get3A_617 : vector<16xf32>
      %add3A_619 = arith.addf %add3A_579, %mul3A_618 : vector<16xf32>
      %get3A_620 = arith.index_cast %scan3A_466 : i32 to index
      %get3A_621 = arith.constant 48 : index
      %get3A_622 = tpu.vector_load %arg24[%get3A_620, %get3A_621] {strides = array<i32>} : memref<128x64xf32, #tpu.memory_space<vmem>>, vector<1x16xf32>,
      %get3A_623 = vector.shape_cast %get3A_622 : vector<1x16xf32> to vector<16xf32>
      %mul3A_624 = arith.mulf %get3A_595, %get3A_623 : vector<16xf32>
      %add3A_625 = arith.addf %add3A_585, %mul3A_624 : vector<16xf32>
      %get3A_626 = arith.index_cast %scan3A_466 : i32 to index
      %get3A_627 = arith.constant 48 : index
      %get3A_628 = tpu.vector_load %arg25[%get3A_626, %get3A_627] {strides = array<i32>} : memref<128x64xf32, #tpu.memory_space<vmem>>, vector<1x16xf32>,
      %get3A_629 = vector.shape_cast %get3A_628 : vector<1x16xf32> to vector<16xf32>
      %mul3A_630 = arith.mulf %get3A_595, %get3A_629 : vector<16xf32>
      %add3A_631 = arith.addf %add3A_591, %mul3A_630 : vector<16xf32>
      scf.yield %add3A_601, %add3A_607, %add3A_613, %add3A_619, %add3A_625, %add3A_631 : vector<16xf32>, vector<16xf32>, vector<16xf32>, vector<16xf32>, vector<16xf32>, vector<16xf32>
    }
    %scan3A_280 = arith.constant 128 : i32
    %dma_wait3A_281 = arith.constant 2 : i32
    %dma_wait3A_282 = arith.constant 0 : i32
    %dma_wait3A_283 = tpu.memref_slice %arg9[%dma_wait3A_281, %dma_wait3A_282] : memref<4x128xi32, #tpu.memory_space<vmem>> -> memref<1x128xi32, #tpu.memory_space<vmem>>
    %dma_wait3A_284 = tpu.memref_squeeze %dma_wait3A_283 : memref<1x128xi32, #tpu.memory_space<vmem>> -> memref<128xi32, #tpu.memory_space<vmem>>
    %dma_wait3A_285 = arith.constant 0 : i32
    %dma_wait3A_286 = arith.constant 0 : i32
    %dma_wait3A_287 = tpu.memref_slice %arg2[%dma_wait3A_285, %dma_wait3A_286] : memref<1000000x64xf32, #tpu.memory_space<hbm>> -> memref<1000000x64xf32, #tpu.memory_space<hbm>>
    tpu.wait_indirect_dma semaphore(%arg27 : memref<!tpu.dma_semaphore, #tpu.memory_space<semaphore_mem>>) src(%dma_wait3A_287 : memref<1000000x64xf32, #tpu.memory_space<hbm>>) dst(%arg12 : memref<128x64xf32, #tpu.memory_space<vmem>>)
    %dma_wait3A_288 = arith.constant 2 : i32
    %dma_wait3A_289 = arith.constant 0 : i32
    %dma_wait3A_290 = tpu.memref_slice %arg10[%dma_wait3A_288, %dma_wait3A_289] : memref<4x128xi32, #tpu.memory_space<vmem>> -> memref<1x128xi32, #tpu.memory_space<vmem>>
    %dma_wait3A_291 = tpu.memref_squeeze %dma_wait3A_290 : memref<1x128xi32, #tpu.memory_space<vmem>> -> memref<128xi32, #tpu.memory_space<vmem>>
    %dma_wait3A_292 = arith.constant 0 : i32
    %dma_wait3A_293 = arith.constant 0 : i32
    %dma_wait3A_294 = tpu.memref_slice %arg3[%dma_wait3A_292, %dma_wait3A_293] : memref<1000000x64xf32, #tpu.memory_space<hbm>> -> memref<1000000x64xf32, #tpu.memory_space<hbm>>
    tpu.wait_indirect_dma semaphore(%arg27 : memref<!tpu.dma_semaphore, #tpu.memory_space<semaphore_mem>>) src(%dma_wait3A_294 : memref<1000000x64xf32, #tpu.memory_space<hbm>>) dst(%arg13 : memref<128x64xf32, #tpu.memory_space<vmem>>)
    %dma_wait3A_295 = arith.constant 0 : i32
    %dma_wait3A_296 = arith.constant 2 : i32
    %dma_wait3A_297 = arith.constant 0 : i32
    %dma_wait3A_298 = tpu.memref_slice %arg11[%dma_wait3A_295, %dma_wait3A_296, %dma_wait3A_297] : memref<5x4x128xi32, #tpu.memory_space<vmem>> -> memref<1x1x128xi32, #tpu.memory_space<vmem>>
    %dma_wait3A_299 = tpu.memref_squeeze %dma_wait3A_298 : memref<1x1x128xi32, #tpu.memory_space<vmem>> -> memref<128xi32, #tpu.memory_space<vmem>>
    %dma_wait3A_300 = arith.constant 0 : i32
    %dma_wait3A_301 = arith.constant 0 : i32
    %dma_wait3A_302 = tpu.memref_slice %arg3[%dma_wait3A_300, %dma_wait3A_301] : memref<1000000x64xf32, #tpu.memory_space<hbm>> -> memref<1000000x64xf32, #tpu.memory_space<hbm>>
    tpu.wait_indirect_dma semaphore(%arg27 : memref<!tpu.dma_semaphore, #tpu.memory_space<semaphore_mem>>) src(%dma_wait3A_302 : memref<1000000x64xf32, #tpu.memory_space<hbm>>) dst(%arg14 : memref<128x64xf32, #tpu.memory_space<vmem>>)
    %dma_wait3A_303 = arith.constant 1 : i32
    %dma_wait3A_304 = arith.constant 2 : i32
    %dma_wait3A_305 = arith.constant 0 : i32
    %dma_wait3A_306 = tpu.memref_slice %arg11[%dma_wait3A_303, %dma_wait3A_304, %dma_wait3A_305] : memref<5x4x128xi32, #tpu.memory_space<vmem>> -> memref<1x1x128xi32, #tpu.memory_space<vmem>>
    %dma_wait3A_307 = tpu.memref_squeeze %dma_wait3A_306 : memref<1x1x128xi32, #tpu.memory_space<vmem>> -> memref<128xi32, #tpu.memory_space<vmem>>
    %dma_wait3A_308 = arith.constant 0 : i32
    %dma_wait3A_309 = arith.constant 0 : i32
    %dma_wait3A_310 = tpu.memref_slice %arg3[%dma_wait3A_308, %dma_wait3A_309] : memref<1000000x64xf32, #tpu.memory_space<hbm>> -> memref<1000000x64xf32, #tpu.memory_space<hbm>>
    tpu.wait_indirect_dma semaphore(%arg27 : memref<!tpu.dma_semaphore, #tpu.memory_space<semaphore_mem>>) src(%dma_wait3A_310 : memref<1000000x64xf32, #tpu.memory_space<hbm>>) dst(%arg15 : memref<128x64xf32, #tpu.memory_space<vmem>>)
    %dma_wait3A_311 = arith.constant 2 : i32
    %dma_wait3A_312 = arith.constant 2 : i32
    %dma_wait3A_313 = arith.constant 0 : i32
    %dma_wait3A_314 = tpu.memref_slice %arg11[%dma_wait3A_311, %dma_wait3A_312, %dma_wait3A_313] : memref<5x4x128xi32, #tpu.memory_space<vmem>> -> memref<1x1x128xi32, #tpu.memory_space<vmem>>
    %dma_wait3A_315 = tpu.memref_squeeze %dma_wait3A_314 : memref<1x1x128xi32, #tpu.memory_space<vmem>> -> memref<128xi32, #tpu.memory_space<vmem>>
    %dma_wait3A_316 = arith.constant 0 : i32
    %dma_wait3A_317 = arith.constant 0 : i32
    %dma_wait3A_318 = tpu.memref_slice %arg3[%dma_wait3A_316, %dma_wait3A_317] : memref<1000000x64xf32, #tpu.memory_space<hbm>> -> memref<1000000x64xf32, #tpu.memory_space<hbm>>
    tpu.wait_indirect_dma semaphore(%arg27 : memref<!tpu.dma_semaphore, #tpu.memory_space<semaphore_mem>>) src(%dma_wait3A_318 : memref<1000000x64xf32, #tpu.memory_space<hbm>>) dst(%arg16 : memref<128x64xf32, #tpu.memory_space<vmem>>)
    %dma_wait3A_319 = arith.constant 3 : i32
    %dma_wait3A_320 = arith.constant 2 : i32
    %dma_wait3A_321 = arith.constant 0 : i32
    %dma_wait3A_322 = tpu.memref_slice %arg11[%dma_wait3A_319, %dma_wait3A_320, %dma_wait3A_321] : memref<5x4x128xi32, #tpu.memory_space<vmem>> -> memref<1x1x128xi32, #tpu.memory_space<vmem>>
    %dma_wait3A_323 = tpu.memref_squeeze %dma_wait3A_322 : memref<1x1x128xi32, #tpu.memory_space<vmem>> -> memref<128xi32, #tpu.memory_space<vmem>>
    %dma_wait3A_324 = arith.constant 0 : i32
    %dma_wait3A_325 = arith.constant 0 : i32
    %dma_wait3A_326 = tpu.memref_slice %arg3[%dma_wait3A_324, %dma_wait3A_325] : memref<1000000x64xf32, #tpu.memory_space<hbm>> -> memref<1000000x64xf32, #tpu.memory_space<hbm>>
    tpu.wait_indirect_dma semaphore(%arg27 : memref<!tpu.dma_semaphore, #tpu.memory_space<semaphore_mem>>) src(%dma_wait3A_326 : memref<1000000x64xf32, #tpu.memory_space<hbm>>) dst(%arg17 : memref<128x64xf32, #tpu.memory_space<vmem>>)
    %dma_wait3A_327 = arith.constant 4 : i32
    %dma_wait3A_328 = arith.constant 2 : i32
    %dma_wait3A_329 = arith.constant 0 : i32
    %dma_wait3A_330 = tpu.memref_slice %arg11[%dma_wait3A_327, %dma_wait3A_328, %dma_wait3A_329] : memref<5x4x128xi32, #tpu.memory_space<vmem>> -> memref<1x1x128xi32, #tpu.memory_space<vmem>>
    %dma_wait3A_331 = tpu.memref_squeeze %dma_wait3A_330 : memref<1x1x128xi32, #tpu.memory_space<vmem>> -> memref<128xi32, #tpu.memory_space<vmem>>
    %dma_wait3A_332 = arith.constant 0 : i32
    %dma_wait3A_333 = arith.constant 0 : i32
    %dma_wait3A_334 = tpu.memref_slice %arg3[%dma_wait3A_332, %dma_wait3A_333] : memref<1000000x64xf32, #tpu.memory_space<hbm>> -> memref<1000000x64xf32, #tpu.memory_space<hbm>>
    tpu.wait_indirect_dma semaphore(%arg27 : memref<!tpu.dma_semaphore, #tpu.memory_space<semaphore_mem>>) src(%dma_wait3A_334 : memref<1000000x64xf32, #tpu.memory_space<hbm>>) dst(%arg18 : memref<128x64xf32, #tpu.memory_space<vmem>>)
    %dma_start3A_335 = arith.constant 3 : i32
    %dma_start3A_336 = arith.constant 0 : i32
    %dma_start3A_337 = tpu.memref_slice %arg9[%dma_start3A_335, %dma_start3A_336] : memref<4x128xi32, #tpu.memory_space<vmem>> -> memref<1x128xi32, #tpu.memory_space<vmem>>
    %dma_start3A_338 = tpu.memref_squeeze %dma_start3A_337 : memref<1x128xi32, #tpu.memory_space<vmem>> -> memref<128xi32, #tpu.memory_space<vmem>>
    %dma_start3A_339 = arith.constant 0 : i32
    %dma_start3A_340 = arith.constant 0 : i32
    %dma_start3A_341 = tpu.memref_slice %arg2[%dma_start3A_339, %dma_start3A_340] : memref<1000000x64xf32, #tpu.memory_space<hbm>> -> memref<1000000x64xf32, #tpu.memory_space<hbm>>
    tpu.enqueue_indirect_dma source(%dma_start3A_341 : memref<1000000x64xf32, #tpu.memory_space<hbm>>) target(%arg19 : memref<128x64xf32, #tpu.memory_space<vmem>>) offsets(%dma_start3A_338 : memref<128xi32, #tpu.memory_space<vmem>>) semaphore(%arg28 : memref<!tpu.dma_semaphore, #tpu.memory_space<semaphore_mem>>)
    %dma_start3A_342 = arith.constant 3 : i32
    %dma_start3A_343 = arith.constant 0 : i32
    %dma_start3A_344 = tpu.memref_slice %arg10[%dma_start3A_342, %dma_start3A_343] : memref<4x128xi32, #tpu.memory_space<vmem>> -> memref<1x128xi32, #tpu.memory_space<vmem>>
    %dma_start3A_345 = tpu.memref_squeeze %dma_start3A_344 : memref<1x128xi32, #tpu.memory_space<vmem>> -> memref<128xi32, #tpu.memory_space<vmem>>
    %dma_start3A_346 = arith.constant 0 : i32
    %dma_start3A_347 = arith.constant 0 : i32
    %dma_start3A_348 = tpu.memref_slice %arg3[%dma_start3A_346, %dma_start3A_347] : memref<1000000x64xf32, #tpu.memory_space<hbm>> -> memref<1000000x64xf32, #tpu.memory_space<hbm>>
    tpu.enqueue_indirect_dma source(%dma_start3A_348 : memref<1000000x64xf32, #tpu.memory_space<hbm>>) target(%arg20 : memref<128x64xf32, #tpu.memory_space<vmem>>) offsets(%dma_start3A_345 : memref<128xi32, #tpu.memory_space<vmem>>) semaphore(%arg28 : memref<!tpu.dma_semaphore, #tpu.memory_space<semaphore_mem>>)
    %dma_start3A_349 = arith.constant 0 : i32
    %dma_start3A_350 = arith.constant 3 : i32
    %dma_start3A_351 = arith.constant 0 : i32
    %dma_start3A_352 = tpu.memref_slice %arg11[%dma_start3A_349, %dma_start3A_350, %dma_start3A_351] : memref<5x4x128xi32, #tpu.memory_space<vmem>> -> memref<1x1x128xi32, #tpu.memory_space<vmem>>
    %dma_start3A_353 = tpu.memref_squeeze %dma_start3A_352 : memref<1x1x128xi32, #tpu.memory_space<vmem>> -> memref<128xi32, #tpu.memory_space<vmem>>
    %dma_start3A_354 = arith.constant 0 : i32
    %dma_start3A_355 = arith.constant 0 : i32
    %dma_start3A_356 = tpu.memref_slice %arg3[%dma_start3A_354, %dma_start3A_355] : memref<1000000x64xf32, #tpu.memory_space<hbm>> -> memref<1000000x64xf32, #tpu.memory_space<hbm>>
    tpu.enqueue_indirect_dma source(%dma_start3A_356 : memref<1000000x64xf32, #tpu.memory_space<hbm>>) target(%arg21 : memref<128x64xf32, #tpu.memory_space<vmem>>) offsets(%dma_start3A_353 : memref<128xi32, #tpu.memory_space<vmem>>) semaphore(%arg28 : memref<!tpu.dma_semaphore, #tpu.memory_space<semaphore_mem>>)
    %dma_start3A_357 = arith.constant 1 : i32
    %dma_start3A_358 = arith.constant 3 : i32
    %dma_start3A_359 = arith.constant 0 : i32
    %dma_start3A_360 = tpu.memref_slice %arg11[%dma_start3A_357, %dma_start3A_358, %dma_start3A_359] : memref<5x4x128xi32, #tpu.memory_space<vmem>> -> memref<1x1x128xi32, #tpu.memory_space<vmem>>
    %dma_start3A_361 = tpu.memref_squeeze %dma_start3A_360 : memref<1x1x128xi32, #tpu.memory_space<vmem>> -> memref<128xi32, #tpu.memory_space<vmem>>
    %dma_start3A_362 = arith.constant 0 : i32
    %dma_start3A_363 = arith.constant 0 : i32
    %dma_start3A_364 = tpu.memref_slice %arg3[%dma_start3A_362, %dma_start3A_363] : memref<1000000x64xf32, #tpu.memory_space<hbm>> -> memref<1000000x64xf32, #tpu.memory_space<hbm>>
    tpu.enqueue_indirect_dma source(%dma_start3A_364 : memref<1000000x64xf32, #tpu.memory_space<hbm>>) target(%arg22 : memref<128x64xf32, #tpu.memory_space<vmem>>) offsets(%dma_start3A_361 : memref<128xi32, #tpu.memory_space<vmem>>) semaphore(%arg28 : memref<!tpu.dma_semaphore, #tpu.memory_space<semaphore_mem>>)
    %dma_start3A_365 = arith.constant 2 : i32
    %dma_start3A_366 = arith.constant 3 : i32
    %dma_start3A_367 = arith.constant 0 : i32
    %dma_start3A_368 = tpu.memref_slice %arg11[%dma_start3A_365, %dma_start3A_366, %dma_start3A_367] : memref<5x4x128xi32, #tpu.memory_space<vmem>> -> memref<1x1x128xi32, #tpu.memory_space<vmem>>
    %dma_start3A_369 = tpu.memref_squeeze %dma_start3A_368 : memref<1x1x128xi32, #tpu.memory_space<vmem>> -> memref<128xi32, #tpu.memory_space<vmem>>
    %dma_start3A_370 = arith.constant 0 : i32
    %dma_start3A_371 = arith.constant 0 : i32
    %dma_start3A_372 = tpu.memref_slice %arg3[%dma_start3A_370, %dma_start3A_371] : memref<1000000x64xf32, #tpu.memory_space<hbm>> -> memref<1000000x64xf32, #tpu.memory_space<hbm>>
    tpu.enqueue_indirect_dma source(%dma_start3A_372 : memref<1000000x64xf32, #tpu.memory_space<hbm>>) target(%arg23 : memref<128x64xf32, #tpu.memory_space<vmem>>) offsets(%dma_start3A_369 : memref<128xi32, #tpu.memory_space<vmem>>) semaphore(%arg28 : memref<!tpu.dma_semaphore, #tpu.memory_space<semaphore_mem>>)
    %dma_start3A_373 = arith.constant 3 : i32
    %dma_start3A_374 = arith.constant 3 : i32
    %dma_start3A_375 = arith.constant 0 : i32
    %dma_start3A_376 = tpu.memref_slice %arg11[%dma_start3A_373, %dma_start3A_374, %dma_start3A_375] : memref<5x4x128xi32, #tpu.memory_space<vmem>> -> memref<1x1x128xi32, #tpu.memory_space<vmem>>
    %dma_start3A_377 = tpu.memref_squeeze %dma_start3A_376 : memref<1x1x128xi32, #tpu.memory_space<vmem>> -> memref<128xi32, #tpu.memory_space<vmem>>
    %dma_start3A_378 = arith.constant 0 : i32
    %dma_start3A_379 = arith.constant 0 : i32
    %dma_start3A_380 = tpu.memref_slice %arg3[%dma_start3A_378, %dma_start3A_379] : memref<1000000x64xf32, #tpu.memory_space<hbm>> -> memref<1000000x64xf32, #tpu.memory_space<hbm>>
    tpu.enqueue_indirect_dma source(%dma_start3A_380 : memref<1000000x64xf32, #tpu.memory_space<hbm>>) target(%arg24 : memref<128x64xf32, #tpu.memory_space<vmem>>) offsets(%dma_start3A_377 : memref<128xi32, #tpu.memory_space<vmem>>) semaphore(%arg28 : memref<!tpu.dma_semaphore, #tpu.memory_space<semaphore_mem>>)
    %dma_start3A_381 = arith.constant 4 : i32
    %dma_start3A_382 = arith.constant 3 : i32
    %dma_start3A_383 = arith.constant 0 : i32
    %dma_start3A_384 = tpu.memref_slice %arg11[%dma_start3A_381, %dma_start3A_382, %dma_start3A_383] : memref<5x4x128xi32, #tpu.memory_space<vmem>> -> memref<1x1x128xi32, #tpu.memory_space<vmem>>
    %dma_start3A_385 = tpu.memref_squeeze %dma_start3A_384 : memref<1x1x128xi32, #tpu.memory_space<vmem>> -> memref<128xi32, #tpu.memory_space<vmem>>
    %dma_start3A_386 = arith.constant 0 : i32
    %dma_start3A_387 = arith.constant 0 : i32
    %dma_start3A_388 = tpu.memref_slice %arg3[%dma_start3A_386, %dma_start3A_387] : memref<1000000x64xf32, #tpu.memory_space<hbm>> -> memref<1000000x64xf32, #tpu.memory_space<hbm>>
    tpu.enqueue_indirect_dma source(%dma_start3A_388 : memref<1000000x64xf32, #tpu.memory_space<hbm>>) target(%arg25 : memref<128x64xf32, #tpu.memory_space<vmem>>) offsets(%dma_start3A_385 : memref<128xi32, #tpu.memory_space<vmem>>) semaphore(%arg28 : memref<!tpu.dma_semaphore, #tpu.memory_space<semaphore_mem>>)
    %scan3A_389 = arith.constant 0 : i32
    %scan3A_390 = arith.constant 128 : i32
    %scan3A_391 = arith.addi %scan3A_389, %scan3A_390 : i32
    %scan3A_392 = arith.constant 1 : i32
    %scan3A_393:6 = scf.for %scan3A_466 = %scan3A_389 to %scan3A_391 step %scan3A_392 iter_args(%scan3A_467 = %scan3A_279#0, %scan3A_468 = %scan3A_279#1, %scan3A_469 = %scan3A_279#2, %scan3A_470 = %scan3A_279#3, %scan3A_471 = %scan3A_279#4, %scan3A_472 = %scan3A_279#5) -> (vector<16xf32>, vector<16xf32>, vector<16xf32>, vector<16xf32>, vector<16xf32>, vector<16xf32>)  : i32 {
      %get3A = arith.index_cast %scan3A_466 : i32 to index
      %get3A_473 = arith.constant 0 : index
      %get3A_474 = tpu.vector_load %arg12[%get3A, %get3A_473] {strides = array<i32>} : memref<128x64xf32, #tpu.memory_space<vmem>>, vector<1x16xf32>,
      %get3A_475 = vector.shape_cast %get3A_474 : vector<1x16xf32> to vector<16xf32>
      %get3A_476 = arith.index_cast %scan3A_466 : i32 to index
      %get3A_477 = arith.constant 0 : index
      %get3A_478 = tpu.vector_load %arg13[%get3A_476, %get3A_477] {strides = array<i32>} : memref<128x64xf32, #tpu.memory_space<vmem>>, vector<1x16xf32>,
      %get3A_479 = vector.shape_cast %get3A_478 : vector<1x16xf32> to vector<16xf32>
      %mul3A_480 = arith.mulf %get3A_475, %get3A_479 : vector<16xf32>
      %add3A_481 = arith.addf %scan3A_467, %mul3A_480 : vector<16xf32>
      %get3A_482 = arith.index_cast %scan3A_466 : i32 to index
      %get3A_483 = arith.constant 0 : index
      %get3A_484 = tpu.vector_load %arg14[%get3A_482, %get3A_483] {strides = array<i32>} : memref<128x64xf32, #tpu.memory_space<vmem>>, vector<1x16xf32>,
      %get3A_485 = vector.shape_cast %get3A_484 : vector<1x16xf32> to vector<16xf32>
      %mul3A_486 = arith.mulf %get3A_475, %get3A_485 : vector<16xf32>
      %add3A_487 = arith.addf %scan3A_468, %mul3A_486 : vector<16xf32>
      %get3A_488 = arith.index_cast %scan3A_466 : i32 to index
      %get3A_489 = arith.constant 0 : index
      %get3A_490 = tpu.vector_load %arg15[%get3A_488, %get3A_489] {strides = array<i32>} : memref<128x64xf32, #tpu.memory_space<vmem>>, vector<1x16xf32>,
      %get3A_491 = vector.shape_cast %get3A_490 : vector<1x16xf32> to vector<16xf32>
      %mul3A_492 = arith.mulf %get3A_475, %get3A_491 : vector<16xf32>
      %add3A_493 = arith.addf %scan3A_469, %mul3A_492 : vector<16xf32>
      %get3A_494 = arith.index_cast %scan3A_466 : i32 to index
      %get3A_495 = arith.constant 0 : index
      %get3A_496 = tpu.vector_load %arg16[%get3A_494, %get3A_495] {strides = array<i32>} : memref<128x64xf32, #tpu.memory_space<vmem>>, vector<1x16xf32>,
      %get3A_497 = vector.shape_cast %get3A_496 : vector<1x16xf32> to vector<16xf32>
      %mul3A_498 = arith.mulf %get3A_475, %get3A_497 : vector<16xf32>
      %add3A_499 = arith.addf %scan3A_470, %mul3A_498 : vector<16xf32>
      %get3A_500 = arith.index_cast %scan3A_466 : i32 to index
      %get3A_501 = arith.constant 0 : index
      %get3A_502 = tpu.vector_load %arg17[%get3A_500, %get3A_501] {strides = array<i32>} : memref<128x64xf32, #tpu.memory_space<vmem>>, vector<1x16xf32>,
      %get3A_503 = vector.shape_cast %get3A_502 : vector<1x16xf32> to vector<16xf32>
      %mul3A_504 = arith.mulf %get3A_475, %get3A_503 : vector<16xf32>
      %add3A_505 = arith.addf %scan3A_471, %mul3A_504 : vector<16xf32>
      %get3A_506 = arith.index_cast %scan3A_466 : i32 to index
      %get3A_507 = arith.constant 0 : index
      %get3A_508 = tpu.vector_load %arg18[%get3A_506, %get3A_507] {strides = array<i32>} : memref<128x64xf32, #tpu.memory_space<vmem>>, vector<1x16xf32>,
      %get3A_509 = vector.shape_cast %get3A_508 : vector<1x16xf32> to vector<16xf32>
      %mul3A_510 = arith.mulf %get3A_475, %get3A_509 : vector<16xf32>
      %add3A_511 = arith.addf %scan3A_472, %mul3A_510 : vector<16xf32>
      %get3A_512 = arith.index_cast %scan3A_466 : i32 to index
      %get3A_513 = arith.constant 16 : index
      %get3A_514 = tpu.vector_load %arg12[%get3A_512, %get3A_513] {strides = array<i32>} : memref<128x64xf32, #tpu.memory_space<vmem>>, vector<1x16xf32>,
      %get3A_515 = vector.shape_cast %get3A_514 : vector<1x16xf32> to vector<16xf32>
      %get3A_516 = arith.index_cast %scan3A_466 : i32 to index
      %get3A_517 = arith.constant 16 : index
      %get3A_518 = tpu.vector_load %arg13[%get3A_516, %get3A_517] {strides = array<i32>} : memref<128x64xf32, #tpu.memory_space<vmem>>, vector<1x16xf32>,
      %get3A_519 = vector.shape_cast %get3A_518 : vector<1x16xf32> to vector<16xf32>
      %mul3A_520 = arith.mulf %get3A_515, %get3A_519 : vector<16xf32>
      %add3A_521 = arith.addf %add3A_481, %mul3A_520 : vector<16xf32>
      %get3A_522 = arith.index_cast %scan3A_466 : i32 to index
      %get3A_523 = arith.constant 16 : index
      %get3A_524 = tpu.vector_load %arg14[%get3A_522, %get3A_523] {strides = array<i32>} : memref<128x64xf32, #tpu.memory_space<vmem>>, vector<1x16xf32>,
      %get3A_525 = vector.shape_cast %get3A_524 : vector<1x16xf32> to vector<16xf32>
      %mul3A_526 = arith.mulf %get3A_515, %get3A_525 : vector<16xf32>
      %add3A_527 = arith.addf %add3A_487, %mul3A_526 : vector<16xf32>
      %get3A_528 = arith.index_cast %scan3A_466 : i32 to index
      %get3A_529 = arith.constant 16 : index
      %get3A_530 = tpu.vector_load %arg15[%get3A_528, %get3A_529] {strides = array<i32>} : memref<128x64xf32, #tpu.memory_space<vmem>>, vector<1x16xf32>,
      %get3A_531 = vector.shape_cast %get3A_530 : vector<1x16xf32> to vector<16xf32>
      %mul3A_532 = arith.mulf %get3A_515, %get3A_531 : vector<16xf32>
      %add3A_533 = arith.addf %add3A_493, %mul3A_532 : vector<16xf32>
      %get3A_534 = arith.index_cast %scan3A_466 : i32 to index
      %get3A_535 = arith.constant 16 : index
      %get3A_536 = tpu.vector_load %arg16[%get3A_534, %get3A_535] {strides = array<i32>} : memref<128x64xf32, #tpu.memory_space<vmem>>, vector<1x16xf32>,
      %get3A_537 = vector.shape_cast %get3A_536 : vector<1x16xf32> to vector<16xf32>
      %mul3A_538 = arith.mulf %get3A_515, %get3A_537 : vector<16xf32>
      %add3A_539 = arith.addf %add3A_499, %mul3A_538 : vector<16xf32>
      %get3A_540 = arith.index_cast %scan3A_466 : i32 to index
      %get3A_541 = arith.constant 16 : index
      %get3A_542 = tpu.vector_load %arg17[%get3A_540, %get3A_541] {strides = array<i32>} : memref<128x64xf32, #tpu.memory_space<vmem>>, vector<1x16xf32>,
      %get3A_543 = vector.shape_cast %get3A_542 : vector<1x16xf32> to vector<16xf32>
      %mul3A_544 = arith.mulf %get3A_515, %get3A_543 : vector<16xf32>
      %add3A_545 = arith.addf %add3A_505, %mul3A_544 : vector<16xf32>
      %get3A_546 = arith.index_cast %scan3A_466 : i32 to index
      %get3A_547 = arith.constant 16 : index
      %get3A_548 = tpu.vector_load %arg18[%get3A_546, %get3A_547] {strides = array<i32>} : memref<128x64xf32, #tpu.memory_space<vmem>>, vector<1x16xf32>,
      %get3A_549 = vector.shape_cast %get3A_548 : vector<1x16xf32> to vector<16xf32>
      %mul3A_550 = arith.mulf %get3A_515, %get3A_549 : vector<16xf32>
      %add3A_551 = arith.addf %add3A_511, %mul3A_550 : vector<16xf32>
      %get3A_552 = arith.index_cast %scan3A_466 : i32 to index
      %get3A_553 = arith.constant 32 : index
      %get3A_554 = tpu.vector_load %arg12[%get3A_552, %get3A_553] {strides = array<i32>} : memref<128x64xf32, #tpu.memory_space<vmem>>, vector<1x16xf32>,
      %get3A_555 = vector.shape_cast %get3A_554 : vector<1x16xf32> to vector<16xf32>
      %get3A_556 = arith.index_cast %scan3A_466 : i32 to index
      %get3A_557 = arith.constant 32 : index
      %get3A_558 = tpu.vector_load %arg13[%get3A_556, %get3A_557] {strides = array<i32>} : memref<128x64xf32, #tpu.memory_space<vmem>>, vector<1x16xf32>,
      %get3A_559 = vector.shape_cast %get3A_558 : vector<1x16xf32> to vector<16xf32>
      %mul3A_560 = arith.mulf %get3A_555, %get3A_559 : vector<16xf32>
      %add3A_561 = arith.addf %add3A_521, %mul3A_560 : vector<16xf32>
      %get3A_562 = arith.index_cast %scan3A_466 : i32 to index
      %get3A_563 = arith.constant 32 : index
      %get3A_564 = tpu.vector_load %arg14[%get3A_562, %get3A_563] {strides = array<i32>} : memref<128x64xf32, #tpu.memory_space<vmem>>, vector<1x16xf32>,
      %get3A_565 = vector.shape_cast %get3A_564 : vector<1x16xf32> to vector<16xf32>
      %mul3A_566 = arith.mulf %get3A_555, %get3A_565 : vector<16xf32>
      %add3A_567 = arith.addf %add3A_527, %mul3A_566 : vector<16xf32>
      %get3A_568 = arith.index_cast %scan3A_466 : i32 to index
      %get3A_569 = arith.constant 32 : index
      %get3A_570 = tpu.vector_load %arg15[%get3A_568, %get3A_569] {strides = array<i32>} : memref<128x64xf32, #tpu.memory_space<vmem>>, vector<1x16xf32>,
      %get3A_571 = vector.shape_cast %get3A_570 : vector<1x16xf32> to vector<16xf32>
      %mul3A_572 = arith.mulf %get3A_555, %get3A_571 : vector<16xf32>
      %add3A_573 = arith.addf %add3A_533, %mul3A_572 : vector<16xf32>
      %get3A_574 = arith.index_cast %scan3A_466 : i32 to index
      %get3A_575 = arith.constant 32 : index
      %get3A_576 = tpu.vector_load %arg16[%get3A_574, %get3A_575] {strides = array<i32>} : memref<128x64xf32, #tpu.memory_space<vmem>>, vector<1x16xf32>,
      %get3A_577 = vector.shape_cast %get3A_576 : vector<1x16xf32> to vector<16xf32>
      %mul3A_578 = arith.mulf %get3A_555, %get3A_577 : vector<16xf32>
      %add3A_579 = arith.addf %add3A_539, %mul3A_578 : vector<16xf32>
      %get3A_580 = arith.index_cast %scan3A_466 : i32 to index
      %get3A_581 = arith.constant 32 : index
      %get3A_582 = tpu.vector_load %arg17[%get3A_580, %get3A_581] {strides = array<i32>} : memref<128x64xf32, #tpu.memory_space<vmem>>, vector<1x16xf32>,
      %get3A_583 = vector.shape_cast %get3A_582 : vector<1x16xf32> to vector<16xf32>
      %mul3A_584 = arith.mulf %get3A_555, %get3A_583 : vector<16xf32>
      %add3A_585 = arith.addf %add3A_545, %mul3A_584 : vector<16xf32>
      %get3A_586 = arith.index_cast %scan3A_466 : i32 to index
      %get3A_587 = arith.constant 32 : index
      %get3A_588 = tpu.vector_load %arg18[%get3A_586, %get3A_587] {strides = array<i32>} : memref<128x64xf32, #tpu.memory_space<vmem>>, vector<1x16xf32>,
      %get3A_589 = vector.shape_cast %get3A_588 : vector<1x16xf32> to vector<16xf32>
      %mul3A_590 = arith.mulf %get3A_555, %get3A_589 : vector<16xf32>
      %add3A_591 = arith.addf %add3A_551, %mul3A_590 : vector<16xf32>
      %get3A_592 = arith.index_cast %scan3A_466 : i32 to index
      %get3A_593 = arith.constant 48 : index
      %get3A_594 = tpu.vector_load %arg12[%get3A_592, %get3A_593] {strides = array<i32>} : memref<128x64xf32, #tpu.memory_space<vmem>>, vector<1x16xf32>,
      %get3A_595 = vector.shape_cast %get3A_594 : vector<1x16xf32> to vector<16xf32>
      %get3A_596 = arith.index_cast %scan3A_466 : i32 to index
      %get3A_597 = arith.constant 48 : index
      %get3A_598 = tpu.vector_load %arg13[%get3A_596, %get3A_597] {strides = array<i32>} : memref<128x64xf32, #tpu.memory_space<vmem>>, vector<1x16xf32>,
      %get3A_599 = vector.shape_cast %get3A_598 : vector<1x16xf32> to vector<16xf32>
      %mul3A_600 = arith.mulf %get3A_595, %get3A_599 : vector<16xf32>
      %add3A_601 = arith.addf %add3A_561, %mul3A_600 : vector<16xf32>
      %get3A_602 = arith.index_cast %scan3A_466 : i32 to index
      %get3A_603 = arith.constant 48 : index
      %get3A_604 = tpu.vector_load %arg14[%get3A_602, %get3A_603] {strides = array<i32>} : memref<128x64xf32, #tpu.memory_space<vmem>>, vector<1x16xf32>,
      %get3A_605 = vector.shape_cast %get3A_604 : vector<1x16xf32> to vector<16xf32>
      %mul3A_606 = arith.mulf %get3A_595, %get3A_605 : vector<16xf32>
      %add3A_607 = arith.addf %add3A_567, %mul3A_606 : vector<16xf32>
      %get3A_608 = arith.index_cast %scan3A_466 : i32 to index
      %get3A_609 = arith.constant 48 : index
      %get3A_610 = tpu.vector_load %arg15[%get3A_608, %get3A_609] {strides = array<i32>} : memref<128x64xf32, #tpu.memory_space<vmem>>, vector<1x16xf32>,
      %get3A_611 = vector.shape_cast %get3A_610 : vector<1x16xf32> to vector<16xf32>
      %mul3A_612 = arith.mulf %get3A_595, %get3A_611 : vector<16xf32>
      %add3A_613 = arith.addf %add3A_573, %mul3A_612 : vector<16xf32>
      %get3A_614 = arith.index_cast %scan3A_466 : i32 to index
      %get3A_615 = arith.constant 48 : index
      %get3A_616 = tpu.vector_load %arg16[%get3A_614, %get3A_615] {strides = array<i32>} : memref<128x64xf32, #tpu.memory_space<vmem>>, vector<1x16xf32>,
      %get3A_617 = vector.shape_cast %get3A_616 : vector<1x16xf32> to vector<16xf32>
      %mul3A_618 = arith.mulf %get3A_595, %get3A_617 : vector<16xf32>
      %add3A_619 = arith.addf %add3A_579, %mul3A_618 : vector<16xf32>
      %get3A_620 = arith.index_cast %scan3A_466 : i32 to index
      %get3A_621 = arith.constant 48 : index
      %get3A_622 = tpu.vector_load %arg17[%get3A_620, %get3A_621] {strides = array<i32>} : memref<128x64xf32, #tpu.memory_space<vmem>>, vector<1x16xf32>,
      %get3A_623 = vector.shape_cast %get3A_622 : vector<1x16xf32> to vector<16xf32>
      %mul3A_624 = arith.mulf %get3A_595, %get3A_623 : vector<16xf32>
      %add3A_625 = arith.addf %add3A_585, %mul3A_624 : vector<16xf32>
      %get3A_626 = arith.index_cast %scan3A_466 : i32 to index
      %get3A_627 = arith.constant 48 : index
      %get3A_628 = tpu.vector_load %arg18[%get3A_626, %get3A_627] {strides = array<i32>} : memref<128x64xf32, #tpu.memory_space<vmem>>, vector<1x16xf32>,
      %get3A_629 = vector.shape_cast %get3A_628 : vector<1x16xf32> to vector<16xf32>
      %mul3A_630 = arith.mulf %get3A_595, %get3A_629 : vector<16xf32>
      %add3A_631 = arith.addf %add3A_591, %mul3A_630 : vector<16xf32>
      scf.yield %add3A_601, %add3A_607, %add3A_613, %add3A_619, %add3A_625, %add3A_631 : vector<16xf32>, vector<16xf32>, vector<16xf32>, vector<16xf32>, vector<16xf32>, vector<16xf32>
    }
    %scan3A_394 = arith.constant 128 : i32
    %dma_wait3A_395 = arith.constant 3 : i32
    %dma_wait3A_396 = arith.constant 0 : i32
    %dma_wait3A_397 = tpu.memref_slice %arg9[%dma_wait3A_395, %dma_wait3A_396] : memref<4x128xi32, #tpu.memory_space<vmem>> -> memref<1x128xi32, #tpu.memory_space<vmem>>
    %dma_wait3A_398 = tpu.memref_squeeze %dma_wait3A_397 : memref<1x128xi32, #tpu.memory_space<vmem>> -> memref<128xi32, #tpu.memory_space<vmem>>
    %dma_wait3A_399 = arith.constant 0 : i32
    %dma_wait3A_400 = arith.constant 0 : i32
    %dma_wait3A_401 = tpu.memref_slice %arg2[%dma_wait3A_399, %dma_wait3A_400] : memref<1000000x64xf32, #tpu.memory_space<hbm>> -> memref<1000000x64xf32, #tpu.memory_space<hbm>>
    tpu.wait_indirect_dma semaphore(%arg28 : memref<!tpu.dma_semaphore, #tpu.memory_space<semaphore_mem>>) src(%dma_wait3A_401 : memref<1000000x64xf32, #tpu.memory_space<hbm>>) dst(%arg19 : memref<128x64xf32, #tpu.memory_space<vmem>>)
    %dma_wait3A_402 = arith.constant 3 : i32
    %dma_wait3A_403 = arith.constant 0 : i32
    %dma_wait3A_404 = tpu.memref_slice %arg10[%dma_wait3A_402, %dma_wait3A_403] : memref<4x128xi32, #tpu.memory_space<vmem>> -> memref<1x128xi32, #tpu.memory_space<vmem>>
    %dma_wait3A_405 = tpu.memref_squeeze %dma_wait3A_404 : memref<1x128xi32, #tpu.memory_space<vmem>> -> memref<128xi32, #tpu.memory_space<vmem>>
    %dma_wait3A_406 = arith.constant 0 : i32
    %dma_wait3A_407 = arith.constant 0 : i32
    %dma_wait3A_408 = tpu.memref_slice %arg3[%dma_wait3A_406, %dma_wait3A_407] : memref<1000000x64xf32, #tpu.memory_space<hbm>> -> memref<1000000x64xf32, #tpu.memory_space<hbm>>
    tpu.wait_indirect_dma semaphore(%arg28 : memref<!tpu.dma_semaphore, #tpu.memory_space<semaphore_mem>>) src(%dma_wait3A_408 : memref<1000000x64xf32, #tpu.memory_space<hbm>>) dst(%arg20 : memref<128x64xf32, #tpu.memory_space<vmem>>)
    %dma_wait3A_409 = arith.constant 0 : i32
    %dma_wait3A_410 = arith.constant 3 : i32
    %dma_wait3A_411 = arith.constant 0 : i32
    %dma_wait3A_412 = tpu.memref_slice %arg11[%dma_wait3A_409, %dma_wait3A_410, %dma_wait3A_411] : memref<5x4x128xi32, #tpu.memory_space<vmem>> -> memref<1x1x128xi32, #tpu.memory_space<vmem>>
    %dma_wait3A_413 = tpu.memref_squeeze %dma_wait3A_412 : memref<1x1x128xi32, #tpu.memory_space<vmem>> -> memref<128xi32, #tpu.memory_space<vmem>>
    %dma_wait3A_414 = arith.constant 0 : i32
    %dma_wait3A_415 = arith.constant 0 : i32
    %dma_wait3A_416 = tpu.memref_slice %arg3[%dma_wait3A_414, %dma_wait3A_415] : memref<1000000x64xf32, #tpu.memory_space<hbm>> -> memref<1000000x64xf32, #tpu.memory_space<hbm>>
    tpu.wait_indirect_dma semaphore(%arg28 : memref<!tpu.dma_semaphore, #tpu.memory_space<semaphore_mem>>) src(%dma_wait3A_416 : memref<1000000x64xf32, #tpu.memory_space<hbm>>) dst(%arg21 : memref<128x64xf32, #tpu.memory_space<vmem>>)
    %dma_wait3A_417 = arith.constant 1 : i32
    %dma_wait3A_418 = arith.constant 3 : i32
    %dma_wait3A_419 = arith.constant 0 : i32
    %dma_wait3A_420 = tpu.memref_slice %arg11[%dma_wait3A_417, %dma_wait3A_418, %dma_wait3A_419] : memref<5x4x128xi32, #tpu.memory_space<vmem>> -> memref<1x1x128xi32, #tpu.memory_space<vmem>>
    %dma_wait3A_421 = tpu.memref_squeeze %dma_wait3A_420 : memref<1x1x128xi32, #tpu.memory_space<vmem>> -> memref<128xi32, #tpu.memory_space<vmem>>
    %dma_wait3A_422 = arith.constant 0 : i32
    %dma_wait3A_423 = arith.constant 0 : i32
    %dma_wait3A_424 = tpu.memref_slice %arg3[%dma_wait3A_422, %dma_wait3A_423] : memref<1000000x64xf32, #tpu.memory_space<hbm>> -> memref<1000000x64xf32, #tpu.memory_space<hbm>>
    tpu.wait_indirect_dma semaphore(%arg28 : memref<!tpu.dma_semaphore, #tpu.memory_space<semaphore_mem>>) src(%dma_wait3A_424 : memref<1000000x64xf32, #tpu.memory_space<hbm>>) dst(%arg22 : memref<128x64xf32, #tpu.memory_space<vmem>>)
    %dma_wait3A_425 = arith.constant 2 : i32
    %dma_wait3A_426 = arith.constant 3 : i32
    %dma_wait3A_427 = arith.constant 0 : i32
    %dma_wait3A_428 = tpu.memref_slice %arg11[%dma_wait3A_425, %dma_wait3A_426, %dma_wait3A_427] : memref<5x4x128xi32, #tpu.memory_space<vmem>> -> memref<1x1x128xi32, #tpu.memory_space<vmem>>
    %dma_wait3A_429 = tpu.memref_squeeze %dma_wait3A_428 : memref<1x1x128xi32, #tpu.memory_space<vmem>> -> memref<128xi32, #tpu.memory_space<vmem>>
    %dma_wait3A_430 = arith.constant 0 : i32
    %dma_wait3A_431 = arith.constant 0 : i32
    %dma_wait3A_432 = tpu.memref_slice %arg3[%dma_wait3A_430, %dma_wait3A_431] : memref<1000000x64xf32, #tpu.memory_space<hbm>> -> memref<1000000x64xf32, #tpu.memory_space<hbm>>
    tpu.wait_indirect_dma semaphore(%arg28 : memref<!tpu.dma_semaphore, #tpu.memory_space<semaphore_mem>>) src(%dma_wait3A_432 : memref<1000000x64xf32, #tpu.memory_space<hbm>>) dst(%arg23 : memref<128x64xf32, #tpu.memory_space<vmem>>)
    %dma_wait3A_433 = arith.constant 3 : i32
    %dma_wait3A_434 = arith.constant 3 : i32
    %dma_wait3A_435 = arith.constant 0 : i32
    %dma_wait3A_436 = tpu.memref_slice %arg11[%dma_wait3A_433, %dma_wait3A_434, %dma_wait3A_435] : memref<5x4x128xi32, #tpu.memory_space<vmem>> -> memref<1x1x128xi32, #tpu.memory_space<vmem>>
    %dma_wait3A_437 = tpu.memref_squeeze %dma_wait3A_436 : memref<1x1x128xi32, #tpu.memory_space<vmem>> -> memref<128xi32, #tpu.memory_space<vmem>>
    %dma_wait3A_438 = arith.constant 0 : i32
    %dma_wait3A_439 = arith.constant 0 : i32
    %dma_wait3A_440 = tpu.memref_slice %arg3[%dma_wait3A_438, %dma_wait3A_439] : memref<1000000x64xf32, #tpu.memory_space<hbm>> -> memref<1000000x64xf32, #tpu.memory_space<hbm>>
    tpu.wait_indirect_dma semaphore(%arg28 : memref<!tpu.dma_semaphore, #tpu.memory_space<semaphore_mem>>) src(%dma_wait3A_440 : memref<1000000x64xf32, #tpu.memory_space<hbm>>) dst(%arg24 : memref<128x64xf32, #tpu.memory_space<vmem>>)
    %dma_wait3A_441 = arith.constant 4 : i32
    %dma_wait3A_442 = arith.constant 3 : i32
    %dma_wait3A_443 = arith.constant 0 : i32
    %dma_wait3A_444 = tpu.memref_slice %arg11[%dma_wait3A_441, %dma_wait3A_442, %dma_wait3A_443] : memref<5x4x128xi32, #tpu.memory_space<vmem>> -> memref<1x1x128xi32, #tpu.memory_space<vmem>>
    %dma_wait3A_445 = tpu.memref_squeeze %dma_wait3A_444 : memref<1x1x128xi32, #tpu.memory_space<vmem>> -> memref<128xi32, #tpu.memory_space<vmem>>
    %dma_wait3A_446 = arith.constant 0 : i32
    %dma_wait3A_447 = arith.constant 0 : i32
    %dma_wait3A_448 = tpu.memref_slice %arg3[%dma_wait3A_446, %dma_wait3A_447] : memref<1000000x64xf32, #tpu.memory_space<hbm>> -> memref<1000000x64xf32, #tpu.memory_space<hbm>>
    tpu.wait_indirect_dma semaphore(%arg28 : memref<!tpu.dma_semaphore, #tpu.memory_space<semaphore_mem>>) src(%dma_wait3A_448 : memref<1000000x64xf32, #tpu.memory_space<hbm>>) dst(%arg25 : memref<128x64xf32, #tpu.memory_space<vmem>>)
    %scan3A_449 = arith.constant 0 : i32
    %scan3A_450 = arith.constant 128 : i32
    %scan3A_451 = arith.addi %scan3A_449, %scan3A_450 : i32
    %scan3A_452 = arith.constant 1 : i32
    %scan3A_453:6 = scf.for %scan3A_466 = %scan3A_449 to %scan3A_451 step %scan3A_452 iter_args(%scan3A_467 = %scan3A_393#0, %scan3A_468 = %scan3A_393#1, %scan3A_469 = %scan3A_393#2, %scan3A_470 = %scan3A_393#3, %scan3A_471 = %scan3A_393#4, %scan3A_472 = %scan3A_393#5) -> (vector<16xf32>, vector<16xf32>, vector<16xf32>, vector<16xf32>, vector<16xf32>, vector<16xf32>)  : i32 {
      %get3A = arith.index_cast %scan3A_466 : i32 to index
      %get3A_473 = arith.constant 0 : index
      %get3A_474 = tpu.vector_load %arg19[%get3A, %get3A_473] {strides = array<i32>} : memref<128x64xf32, #tpu.memory_space<vmem>>, vector<1x16xf32>,
      %get3A_475 = vector.shape_cast %get3A_474 : vector<1x16xf32> to vector<16xf32>
      %get3A_476 = arith.index_cast %scan3A_466 : i32 to index
      %get3A_477 = arith.constant 0 : index
      %get3A_478 = tpu.vector_load %arg20[%get3A_476, %get3A_477] {strides = array<i32>} : memref<128x64xf32, #tpu.memory_space<vmem>>, vector<1x16xf32>,
      %get3A_479 = vector.shape_cast %get3A_478 : vector<1x16xf32> to vector<16xf32>
      %mul3A_480 = arith.mulf %get3A_475, %get3A_479 : vector<16xf32>
      %add3A_481 = arith.addf %scan3A_467, %mul3A_480 : vector<16xf32>
      %get3A_482 = arith.index_cast %scan3A_466 : i32 to index
      %get3A_483 = arith.constant 0 : index
      %get3A_484 = tpu.vector_load %arg21[%get3A_482, %get3A_483] {strides = array<i32>} : memref<128x64xf32, #tpu.memory_space<vmem>>, vector<1x16xf32>,
      %get3A_485 = vector.shape_cast %get3A_484 : vector<1x16xf32> to vector<16xf32>
      %mul3A_486 = arith.mulf %get3A_475, %get3A_485 : vector<16xf32>
      %add3A_487 = arith.addf %scan3A_468, %mul3A_486 : vector<16xf32>
      %get3A_488 = arith.index_cast %scan3A_466 : i32 to index
      %get3A_489 = arith.constant 0 : index
      %get3A_490 = tpu.vector_load %arg22[%get3A_488, %get3A_489] {strides = array<i32>} : memref<128x64xf32, #tpu.memory_space<vmem>>, vector<1x16xf32>,
      %get3A_491 = vector.shape_cast %get3A_490 : vector<1x16xf32> to vector<16xf32>
      %mul3A_492 = arith.mulf %get3A_475, %get3A_491 : vector<16xf32>
      %add3A_493 = arith.addf %scan3A_469, %mul3A_492 : vector<16xf32>
      %get3A_494 = arith.index_cast %scan3A_466 : i32 to index
      %get3A_495 = arith.constant 0 : index
      %get3A_496 = tpu.vector_load %arg23[%get3A_494, %get3A_495] {strides = array<i32>} : memref<128x64xf32, #tpu.memory_space<vmem>>, vector<1x16xf32>,
      %get3A_497 = vector.shape_cast %get3A_496 : vector<1x16xf32> to vector<16xf32>
      %mul3A_498 = arith.mulf %get3A_475, %get3A_497 : vector<16xf32>
      %add3A_499 = arith.addf %scan3A_470, %mul3A_498 : vector<16xf32>
      %get3A_500 = arith.index_cast %scan3A_466 : i32 to index
      %get3A_501 = arith.constant 0 : index
      %get3A_502 = tpu.vector_load %arg24[%get3A_500, %get3A_501] {strides = array<i32>} : memref<128x64xf32, #tpu.memory_space<vmem>>, vector<1x16xf32>,
      %get3A_503 = vector.shape_cast %get3A_502 : vector<1x16xf32> to vector<16xf32>
      %mul3A_504 = arith.mulf %get3A_475, %get3A_503 : vector<16xf32>
      %add3A_505 = arith.addf %scan3A_471, %mul3A_504 : vector<16xf32>
      %get3A_506 = arith.index_cast %scan3A_466 : i32 to index
      %get3A_507 = arith.constant 0 : index
      %get3A_508 = tpu.vector_load %arg25[%get3A_506, %get3A_507] {strides = array<i32>} : memref<128x64xf32, #tpu.memory_space<vmem>>, vector<1x16xf32>,
      %get3A_509 = vector.shape_cast %get3A_508 : vector<1x16xf32> to vector<16xf32>
      %mul3A_510 = arith.mulf %get3A_475, %get3A_509 : vector<16xf32>
      %add3A_511 = arith.addf %scan3A_472, %mul3A_510 : vector<16xf32>
      %get3A_512 = arith.index_cast %scan3A_466 : i32 to index
      %get3A_513 = arith.constant 16 : index
      %get3A_514 = tpu.vector_load %arg19[%get3A_512, %get3A_513] {strides = array<i32>} : memref<128x64xf32, #tpu.memory_space<vmem>>, vector<1x16xf32>,
      %get3A_515 = vector.shape_cast %get3A_514 : vector<1x16xf32> to vector<16xf32>
      %get3A_516 = arith.index_cast %scan3A_466 : i32 to index
      %get3A_517 = arith.constant 16 : index
      %get3A_518 = tpu.vector_load %arg20[%get3A_516, %get3A_517] {strides = array<i32>} : memref<128x64xf32, #tpu.memory_space<vmem>>, vector<1x16xf32>,
      %get3A_519 = vector.shape_cast %get3A_518 : vector<1x16xf32> to vector<16xf32>
      %mul3A_520 = arith.mulf %get3A_515, %get3A_519 : vector<16xf32>
      %add3A_521 = arith.addf %add3A_481, %mul3A_520 : vector<16xf32>
      %get3A_522 = arith.index_cast %scan3A_466 : i32 to index
      %get3A_523 = arith.constant 16 : index
      %get3A_524 = tpu.vector_load %arg21[%get3A_522, %get3A_523] {strides = array<i32>} : memref<128x64xf32, #tpu.memory_space<vmem>>, vector<1x16xf32>,
      %get3A_525 = vector.shape_cast %get3A_524 : vector<1x16xf32> to vector<16xf32>
      %mul3A_526 = arith.mulf %get3A_515, %get3A_525 : vector<16xf32>
      %add3A_527 = arith.addf %add3A_487, %mul3A_526 : vector<16xf32>
      %get3A_528 = arith.index_cast %scan3A_466 : i32 to index
      %get3A_529 = arith.constant 16 : index
      %get3A_530 = tpu.vector_load %arg22[%get3A_528, %get3A_529] {strides = array<i32>} : memref<128x64xf32, #tpu.memory_space<vmem>>, vector<1x16xf32>,
      %get3A_531 = vector.shape_cast %get3A_530 : vector<1x16xf32> to vector<16xf32>
      %mul3A_532 = arith.mulf %get3A_515, %get3A_531 : vector<16xf32>
      %add3A_533 = arith.addf %add3A_493, %mul3A_532 : vector<16xf32>
      %get3A_534 = arith.index_cast %scan3A_466 : i32 to index
      %get3A_535 = arith.constant 16 : index
      %get3A_536 = tpu.vector_load %arg23[%get3A_534, %get3A_535] {strides = array<i32>} : memref<128x64xf32, #tpu.memory_space<vmem>>, vector<1x16xf32>,
      %get3A_537 = vector.shape_cast %get3A_536 : vector<1x16xf32> to vector<16xf32>
      %mul3A_538 = arith.mulf %get3A_515, %get3A_537 : vector<16xf32>
      %add3A_539 = arith.addf %add3A_499, %mul3A_538 : vector<16xf32>
      %get3A_540 = arith.index_cast %scan3A_466 : i32 to index
      %get3A_541 = arith.constant 16 : index
      %get3A_542 = tpu.vector_load %arg24[%get3A_540, %get3A_541] {strides = array<i32>} : memref<128x64xf32, #tpu.memory_space<vmem>>, vector<1x16xf32>,
      %get3A_543 = vector.shape_cast %get3A_542 : vector<1x16xf32> to vector<16xf32>
      %mul3A_544 = arith.mulf %get3A_515, %get3A_543 : vector<16xf32>
      %add3A_545 = arith.addf %add3A_505, %mul3A_544 : vector<16xf32>
      %get3A_546 = arith.index_cast %scan3A_466 : i32 to index
      %get3A_547 = arith.constant 16 : index
      %get3A_548 = tpu.vector_load %arg25[%get3A_546, %get3A_547] {strides = array<i32>} : memref<128x64xf32, #tpu.memory_space<vmem>>, vector<1x16xf32>,
      %get3A_549 = vector.shape_cast %get3A_548 : vector<1x16xf32> to vector<16xf32>
      %mul3A_550 = arith.mulf %get3A_515, %get3A_549 : vector<16xf32>
      %add3A_551 = arith.addf %add3A_511, %mul3A_550 : vector<16xf32>
      %get3A_552 = arith.index_cast %scan3A_466 : i32 to index
      %get3A_553 = arith.constant 32 : index
      %get3A_554 = tpu.vector_load %arg19[%get3A_552, %get3A_553] {strides = array<i32>} : memref<128x64xf32, #tpu.memory_space<vmem>>, vector<1x16xf32>,
      %get3A_555 = vector.shape_cast %get3A_554 : vector<1x16xf32> to vector<16xf32>
      %get3A_556 = arith.index_cast %scan3A_466 : i32 to index
      %get3A_557 = arith.constant 32 : index
      %get3A_558 = tpu.vector_load %arg20[%get3A_556, %get3A_557] {strides = array<i32>} : memref<128x64xf32, #tpu.memory_space<vmem>>, vector<1x16xf32>,
      %get3A_559 = vector.shape_cast %get3A_558 : vector<1x16xf32> to vector<16xf32>
      %mul3A_560 = arith.mulf %get3A_555, %get3A_559 : vector<16xf32>
      %add3A_561 = arith.addf %add3A_521, %mul3A_560 : vector<16xf32>
      %get3A_562 = arith.index_cast %scan3A_466 : i32 to index
      %get3A_563 = arith.constant 32 : index
      %get3A_564 = tpu.vector_load %arg21[%get3A_562, %get3A_563] {strides = array<i32>} : memref<128x64xf32, #tpu.memory_space<vmem>>, vector<1x16xf32>,
      %get3A_565 = vector.shape_cast %get3A_564 : vector<1x16xf32> to vector<16xf32>
      %mul3A_566 = arith.mulf %get3A_555, %get3A_565 : vector<16xf32>
      %add3A_567 = arith.addf %add3A_527, %mul3A_566 : vector<16xf32>
      %get3A_568 = arith.index_cast %scan3A_466 : i32 to index
      %get3A_569 = arith.constant 32 : index
      %get3A_570 = tpu.vector_load %arg22[%get3A_568, %get3A_569] {strides = array<i32>} : memref<128x64xf32, #tpu.memory_space<vmem>>, vector<1x16xf32>,
      %get3A_571 = vector.shape_cast %get3A_570 : vector<1x16xf32> to vector<16xf32>
      %mul3A_572 = arith.mulf %get3A_555, %get3A_571 : vector<16xf32>
      %add3A_573 = arith.addf %add3A_533, %mul3A_572 : vector<16xf32>
      %get3A_574 = arith.index_cast %scan3A_466 : i32 to index
      %get3A_575 = arith.constant 32 : index
      %get3A_576 = tpu.vector_load %arg23[%get3A_574, %get3A_575] {strides = array<i32>} : memref<128x64xf32, #tpu.memory_space<vmem>>, vector<1x16xf32>,
      %get3A_577 = vector.shape_cast %get3A_576 : vector<1x16xf32> to vector<16xf32>
      %mul3A_578 = arith.mulf %get3A_555, %get3A_577 : vector<16xf32>
      %add3A_579 = arith.addf %add3A_539, %mul3A_578 : vector<16xf32>
      %get3A_580 = arith.index_cast %scan3A_466 : i32 to index
      %get3A_581 = arith.constant 32 : index
      %get3A_582 = tpu.vector_load %arg24[%get3A_580, %get3A_581] {strides = array<i32>} : memref<128x64xf32, #tpu.memory_space<vmem>>, vector<1x16xf32>,
      %get3A_583 = vector.shape_cast %get3A_582 : vector<1x16xf32> to vector<16xf32>
      %mul3A_584 = arith.mulf %get3A_555, %get3A_583 : vector<16xf32>
      %add3A_585 = arith.addf %add3A_545, %mul3A_584 : vector<16xf32>
      %get3A_586 = arith.index_cast %scan3A_466 : i32 to index
      %get3A_587 = arith.constant 32 : index
      %get3A_588 = tpu.vector_load %arg25[%get3A_586, %get3A_587] {strides = array<i32>} : memref<128x64xf32, #tpu.memory_space<vmem>>, vector<1x16xf32>,
      %get3A_589 = vector.shape_cast %get3A_588 : vector<1x16xf32> to vector<16xf32>
      %mul3A_590 = arith.mulf %get3A_555, %get3A_589 : vector<16xf32>
      %add3A_591 = arith.addf %add3A_551, %mul3A_590 : vector<16xf32>
      %get3A_592 = arith.index_cast %scan3A_466 : i32 to index
      %get3A_593 = arith.constant 48 : index
      %get3A_594 = tpu.vector_load %arg19[%get3A_592, %get3A_593] {strides = array<i32>} : memref<128x64xf32, #tpu.memory_space<vmem>>, vector<1x16xf32>,
      %get3A_595 = vector.shape_cast %get3A_594 : vector<1x16xf32> to vector<16xf32>
      %get3A_596 = arith.index_cast %scan3A_466 : i32 to index
      %get3A_597 = arith.constant 48 : index
      %get3A_598 = tpu.vector_load %arg20[%get3A_596, %get3A_597] {strides = array<i32>} : memref<128x64xf32, #tpu.memory_space<vmem>>, vector<1x16xf32>,
      %get3A_599 = vector.shape_cast %get3A_598 : vector<1x16xf32> to vector<16xf32>
      %mul3A_600 = arith.mulf %get3A_595, %get3A_599 : vector<16xf32>
      %add3A_601 = arith.addf %add3A_561, %mul3A_600 : vector<16xf32>
      %get3A_602 = arith.index_cast %scan3A_466 : i32 to index
      %get3A_603 = arith.constant 48 : index
      %get3A_604 = tpu.vector_load %arg21[%get3A_602, %get3A_603] {strides = array<i32>} : memref<128x64xf32, #tpu.memory_space<vmem>>, vector<1x16xf32>,
      %get3A_605 = vector.shape_cast %get3A_604 : vector<1x16xf32> to vector<16xf32>
      %mul3A_606 = arith.mulf %get3A_595, %get3A_605 : vector<16xf32>
      %add3A_607 = arith.addf %add3A_567, %mul3A_606 : vector<16xf32>
      %get3A_608 = arith.index_cast %scan3A_466 : i32 to index
      %get3A_609 = arith.constant 48 : index
      %get3A_610 = tpu.vector_load %arg22[%get3A_608, %get3A_609] {strides = array<i32>} : memref<128x64xf32, #tpu.memory_space<vmem>>, vector<1x16xf32>,
      %get3A_611 = vector.shape_cast %get3A_610 : vector<1x16xf32> to vector<16xf32>
      %mul3A_612 = arith.mulf %get3A_595, %get3A_611 : vector<16xf32>
      %add3A_613 = arith.addf %add3A_573, %mul3A_612 : vector<16xf32>
      %get3A_614 = arith.index_cast %scan3A_466 : i32 to index
      %get3A_615 = arith.constant 48 : index
      %get3A_616 = tpu.vector_load %arg23[%get3A_614, %get3A_615] {strides = array<i32>} : memref<128x64xf32, #tpu.memory_space<vmem>>, vector<1x16xf32>,
      %get3A_617 = vector.shape_cast %get3A_616 : vector<1x16xf32> to vector<16xf32>
      %mul3A_618 = arith.mulf %get3A_595, %get3A_617 : vector<16xf32>
      %add3A_619 = arith.addf %add3A_579, %mul3A_618 : vector<16xf32>
      %get3A_620 = arith.index_cast %scan3A_466 : i32 to index
      %get3A_621 = arith.constant 48 : index
      %get3A_622 = tpu.vector_load %arg24[%get3A_620, %get3A_621] {strides = array<i32>} : memref<128x64xf32, #tpu.memory_space<vmem>>, vector<1x16xf32>,
      %get3A_623 = vector.shape_cast %get3A_622 : vector<1x16xf32> to vector<16xf32>
      %mul3A_624 = arith.mulf %get3A_595, %get3A_623 : vector<16xf32>
      %add3A_625 = arith.addf %add3A_585, %mul3A_624 : vector<16xf32>
      %get3A_626 = arith.index_cast %scan3A_466 : i32 to index
      %get3A_627 = arith.constant 48 : index
      %get3A_628 = tpu.vector_load %arg25[%get3A_626, %get3A_627] {strides = array<i32>} : memref<128x64xf32, #tpu.memory_space<vmem>>, vector<1x16xf32>,
      %get3A_629 = vector.shape_cast %get3A_628 : vector<1x16xf32> to vector<16xf32>
      %mul3A_630 = arith.mulf %get3A_595, %get3A_629 : vector<16xf32>
      %add3A_631 = arith.addf %add3A_591, %mul3A_630 : vector<16xf32>
      scf.yield %add3A_601, %add3A_607, %add3A_613, %add3A_619, %add3A_625, %add3A_631 : vector<16xf32>, vector<16xf32>, vector<16xf32>, vector<16xf32>, vector<16xf32>, vector<16xf32>
    }
    %scan3A_454 = arith.constant 128 : i32
    %swap3A = arith.constant 0 : index
    %swap3A_455 = tpu.vector_load %arg26[%swap3A] {strides = array<i32>} : memref<16xf32, #tpu.memory_space<vmem>>, vector<16xf32>,
    %swap3A_456 = vector.shape_cast %swap3A_455 : vector<16xf32> to vector<16xf32>
    %swap3A_457 = vector.shape_cast %scan3A_453#0 : vector<16xf32> to vector<16xf32>
    tpu.vector_store %arg26[%swap3A], %swap3A_457 {strides = array<i32>} : memref<16xf32, #tpu.memory_space<vmem>>, vector<16xf32>,
    "tpu.region"() ({
      %run_scoped3A = tpu.sem_alloc : memref<!tpu.dma_semaphore, #tpu.memory_space<semaphore_mem>>
      %dma_start3A_466 = arith.constant 0 : i32
      %dma_start3A_467 = tpu.memref_slice %arg7[%add3A, %dma_start3A_466] : memref<32x16xf32, #tpu.memory_space<hbm>> -> memref<1x16xf32, #tpu.memory_space<hbm>>
      %dma_start3A_468 = tpu.memref_squeeze %dma_start3A_467 : memref<1x16xf32, #tpu.memory_space<hbm>> -> memref<16xf32, #tpu.memory_space<hbm>>
      %dma_start3A_469 = arith.constant 0 : i32
      %dma_start3A_470 = tpu.memref_slice %arg7[%add3A, %dma_start3A_469] : memref<32x16xf32, #tpu.memory_space<hbm>> -> memref<1x16xf32, #tpu.memory_space<hbm>>
      %dma_start3A_471 = tpu.memref_squeeze %dma_start3A_470 : memref<1x16xf32, #tpu.memory_space<hbm>> -> memref<16xf32, #tpu.memory_space<hbm>>
      tpu.enqueue_dma source(%arg26 : memref<16xf32, #tpu.memory_space<vmem>>) target(%dma_start3A_471 : memref<16xf32, #tpu.memory_space<hbm>>) target_semaphore(%run_scoped3A : memref<!tpu.dma_semaphore, #tpu.memory_space<semaphore_mem>>)
      %dma_wait3A_472 = arith.constant 0 : i32
      %dma_wait3A_473 = tpu.memref_slice %arg7[%add3A, %dma_wait3A_472] : memref<32x16xf32, #tpu.memory_space<hbm>> -> memref<1x16xf32, #tpu.memory_space<hbm>>
      %dma_wait3A_474 = tpu.memref_squeeze %dma_wait3A_473 : memref<1x16xf32, #tpu.memory_space<hbm>> -> memref<16xf32, #tpu.memory_space<hbm>>
      %dma_wait3A_475 = arith.constant 0 : i32
      %dma_wait3A_476 = tpu.memref_slice %arg7[%add3A, %dma_wait3A_475] : memref<32x16xf32, #tpu.memory_space<hbm>> -> memref<1x16xf32, #tpu.memory_space<hbm>>
      %dma_wait3A_477 = tpu.memref_squeeze %dma_wait3A_476 : memref<1x16xf32, #tpu.memory_space<hbm>> -> memref<16xf32, #tpu.memory_space<hbm>>
      tpu.wait_dma2 semaphore(%run_scoped3A : memref<!tpu.dma_semaphore, #tpu.memory_space<semaphore_mem>>) src(%arg26 : memref<16xf32, #tpu.memory_space<vmem>>) dst(%dma_wait3A_477 : memref<16xf32, #tpu.memory_space<hbm>>)
      tpu.yield
    }) : () -> ()
    %add3A_458 = arith.addf %scan3A_453#1, %scan3A_453#2 : vector<16xf32>
    %add3A_459 = arith.addf %add3A_458, %scan3A_453#3 : vector<16xf32>
    %add3A_460 = arith.addf %add3A_459, %scan3A_453#4 : vector<16xf32>
    %add3A_461 = arith.addf %add3A_460, %scan3A_453#5 : vector<16xf32>
    %swap3A_462 = arith.constant 0 : index
    %swap3A_463 = tpu.vector_load %arg26[%swap3A_462] {strides = array<i32>} : memref<16xf32, #tpu.memory_space<vmem>>, vector<16xf32>,
    %swap3A_464 = vector.shape_cast %swap3A_463 : vector<16xf32> to vector<16xf32>
    %swap3A_465 = vector.shape_cast %add3A_461 : vector<16xf32> to vector<16xf32>
    tpu.vector_store %arg26[%swap3A_462], %swap3A_465 {strides = array<i32>} : memref<16xf32, #tpu.memory_space<vmem>>, vector<16xf32>,
    "tpu.region"() ({
      %run_scoped3A = tpu.sem_alloc : memref<!tpu.dma_semaphore, #tpu.memory_space<semaphore_mem>>
      %dma_start3A_466 = arith.constant 0 : i32
      %dma_start3A_467 = tpu.memref_slice %arg8[%add3A, %dma_start3A_466] : memref<32x16xf32, #tpu.memory_space<hbm>> -> memref<1x16xf32, #tpu.memory_space<hbm>>
      %dma_start3A_468 = tpu.memref_squeeze %dma_start3A_467 : memref<1x16xf32, #tpu.memory_space<hbm>> -> memref<16xf32, #tpu.memory_space<hbm>>
      %dma_start3A_469 = arith.constant 0 : i32
      %dma_start3A_470 = tpu.memref_slice %arg8[%add3A, %dma_start3A_469] : memref<32x16xf32, #tpu.memory_space<hbm>> -> memref<1x16xf32, #tpu.memory_space<hbm>>
      %dma_start3A_471 = tpu.memref_squeeze %dma_start3A_470 : memref<1x16xf32, #tpu.memory_space<hbm>> -> memref<16xf32, #tpu.memory_space<hbm>>
      tpu.enqueue_dma source(%arg26 : memref<16xf32, #tpu.memory_space<vmem>>) target(%dma_start3A_471 : memref<16xf32, #tpu.memory_space<hbm>>) target_semaphore(%run_scoped3A : memref<!tpu.dma_semaphore, #tpu.memory_space<semaphore_mem>>)
      %dma_wait3A_472 = arith.constant 0 : i32
      %dma_wait3A_473 = tpu.memref_slice %arg8[%add3A, %dma_wait3A_472] : memref<32x16xf32, #tpu.memory_space<hbm>> -> memref<1x16xf32, #tpu.memory_space<hbm>>
      %dma_wait3A_474 = tpu.memref_squeeze %dma_wait3A_473 : memref<1x16xf32, #tpu.memory_space<hbm>> -> memref<16xf32, #tpu.memory_space<hbm>>
      %dma_wait3A_475 = arith.constant 0 : i32
      %dma_wait3A_476 = tpu.memref_slice %arg8[%add3A, %dma_wait3A_475] : memref<32x16xf32, #tpu.memory_space<hbm>> -> memref<1x16xf32, #tpu.memory_space<hbm>>
      %dma_wait3A_477 = tpu.memref_squeeze %dma_wait3A_476 : memref<1x16xf32, #tpu.memory_space<hbm>> -> memref<16xf32, #tpu.memory_space<hbm>>
      tpu.wait_dma2 semaphore(%run_scoped3A : memref<!tpu.dma_semaphore, #tpu.memory_space<semaphore_mem>>) src(%arg26 : memref<16xf32, #tpu.memory_space<vmem>>) dst(%dma_wait3A_477 : memref<16xf32, #tpu.memory_space<hbm>>)
      tpu.yield
    }) : () -> ()
    return
  }
}

</mosaic_0001>

<sc_bundles>
// kernel: _skipgram.3.cloned.1.call-start
scs
__scs_entry_jumppad:
0x0: {  	(pc) =	sbr.rel $0x88, $3  }
0x1: {  	(tag) =	ssettag $0x0;
	lr =	simm.s32 $0x1  }
0x2: {  	[smem:$0x3F9C] =	sst lr;
	_ =	strace $0xD0000000  }
0x3: {  	_ = 	snop  }
0x4: {  	_ = 	snop  }
0x5: {  	_ = 	snop  }
0x6: {  	_ = 	snop  }
0x7: {  	_ = 	snop  }
__scs_overlays_trampoline_lowered:
0x8: {  	[smem:$0x3FAB] =	sst s0  }
0x9: {  	[smem:$0x3FAC] =	sst s1  }
0xa: {  	[smem:$0x3FAD] =	sst s2  }
0xb: {  	[smem:$0x3FAE] =	sst s3  }
0xc: {  	[smem:$0x3FAF] =	sst s4  }
0xd: {  	[smem:$0x3FB0] =	sst s5  }
0xe: {  	[smem:$0x3FB1] =	sst s6  }
0xf: {  	[smem:$0x3FB2] =	sst s7  }
0x10: {  	[smem:$0x3FB3] =	sst s8  }
0x11: {  	[smem:$0x3FB4] =	sst s9;
	s0 =	simm.s32 @!p0 $0x0  }
0x12: {  	s1 =	sld [smem:$0x3F9A];
	s0 =	simm.s32 @p0 $0x1  }
0x13: {  	[smem:$0x3FB5] =	sst s0;
	s0 =	simm.s32 @!p1 $0x0  }
0x14: {  	s2 =	sld [smem:$0x3F99];
	s0 =	simm.s32 @p1 $0x1  }
0x15: {  	[smem:$0x3FB6] =	sst s0;
	s0 =	simm.s32 @!p2 $0x0  }
0x16: {  	s3 =	sld [smem:$0x3FDB];
	s0 =	simm.s32 @p2 $0x1  }
0x17: {  	s4 =	simm.s32 $0x1BF5;
	[smem:$0x3FB8] =	sst s0  }
0x18: {  	s0 =	sld [smem:$0x3F9B];
	_ =	swait.ge [sflag:s4], $0x0  }
0x19: {  	s7 =	sld [smem:$0x3F9C]  }
0x1a: {  	s8 =	sadd.s32 $0xFFFFE003, lr  }
0x1b: {  	s9 =	sadd.s32 $0xFFFFFEF7, lr;
	s5 =	simm.s32 $0xFFFFFFFF;
	p2 =	slt.u32 s8, $0xFFFFF086  }
0x1c: {  	p1 =	slt.u32 s9, $0xF7A;
	s5 =	simm.s32 @!p2 $0x0  }
0x1d: {  	s5 =	simm.s32 @p1 $0x1;
	p0 =	seq.s32 s7, s2  }
0x1e: {  	s7 =	smul.u32 @!p0 $0xF7A, s2;
	p2 =	seq.s32 @!p0 s5, $0x0  }
0x1f: {  	s9 =	smul.u32 $0xF7A, s1;
	s8 =	simm.s32 @!p0 $0x1BF5;
	p2 =	por !p2, p0  }
0x20: {  	[sflag:s8] =	ssyncset.s32 @!p0 $0xFFFFF086;
	s6 =	sadd.s32 @!p0 s3, s7;
	s7 =	simm.s32 @!p0 $0x108  }
0x21: {  	s3 =	sadd.s32 s3, s9;
	s6 =	sadd.s32 @!p0 $0x88, s6;
	s7 =	simm.s32 @p2 $0x1082  }
0x22: {  	[simem:s7], [sflag:s8] =	dma.local @!p0 [hbm:s6], $0xF7A  }
0x23: {  	s9 =	sor.u32 $0xD0000000, s2;
	s6 =	simm.s32 $0x108;
	_ =	swait.ge @!p0 [sflag:s8], $0x0  }
0x24: {  	s3 =	sadd.s32 $0x88, s3;
	s6 =	simm.s32 @!p1 $0x1082;
	[sflag:s4] =	ssyncset.s32 $0xFFFFF086  }
0x25: {  	[simem:s6], [sflag:s4] =	dma.local [hbm:s3], $0xF7A  }
0x26: {  	[smem:$0x3F9C] =	sst s1;
	(tag) =	ssettag s2;
	_ =	strace s9  }
0x27: {  	s1 =	sld [smem:$0x3FAC]  }
0x28: {  	s2 =	sld [smem:$0x3FAD]  }
0x29: {  	s4 =	sld [smem:$0x3FAF]  }
0x2a: {  	p0 =	seq.s32 s5, $0x0;
	s5 =	sld [smem:$0x3FB0]  }
0x2b: {  	s6 =	sld [smem:$0x3FB1]  }
0x2c: {  	s7 =	sld [smem:$0x3FB2]  }
0x2d: {  	s3 =	simm.s32 $0x108;
	s8 =	sld [smem:$0x3FB3]  }
0x2e: {  	s3 =	simm.s32 @!p0 $0x1082;
	s9 =	sld [smem:$0x3FB4]  }
0x2f: {  	lr =	sadd.s32 s0, s3;
	s0 =	sld [smem:$0x3FAB]  }
0x30: {  	s3 =	sld [smem:$0x3FAE]  }
0x31: {  	[smem:$0x3FB7] =	sst s10  }
0x32: {  	s10 =	sld [smem:$0x3FB5];
	_ =	sdelay $0x3  }
0x33: {  	p0 =	seq.s32 s10, $0x1;
	s10 =	sld [smem:$0x3FB7];
	_ =	sdelay $0x3  }
0x34: {  	[smem:$0x3FB7] =	sst s10  }
0x35: {  	s10 =	sld [smem:$0x3FB6];
	_ =	sdelay $0x3  }
0x36: {  	p1 =	seq.s32 s10, $0x1;
	s10 =	sld [smem:$0x3FB7];
	_ =	sdelay $0x3  }
0x37: {  	[smem:$0x3FB7] =	sst s10  }
0x38: {  	s10 =	sld [smem:$0x3FB8]  }
0x39: {  	_ = 	snop;
	(pc) =	sbr.ind lr, $3  }
0x3a: {  	_ = 	snop  }
0x3b: {  	_ = 	snop  }
0x3c: {  	p2 =	seq.s32 s10, $0x1;
	s10 =	sld [smem:$0x3FB7]  }
0x3d: {  	_ =	shalt  }
0x3e: {  	_ =	shalt  }
0x3f: {  	_ =	shalt  }
0x40: {  	_ =	shalt  }
0x41: {  	_ =	shalt  }
0x42: {  	_ =	shalt  }
0x43: {  	_ =	shalt  }
0x44: {  	_ =	shalt  }
0x45: {  	_ =	shalt  }
0x46: {  	_ =	shalt  }
0x47: {  	_ =	shalt  }
0x48: {  	_ =	shalt  }
0x49: {  	_ =	shalt  }
0x4a: {  	_ =	shalt  }
0x4b: {  	_ =	shalt  }
0x4c: {  	_ =	shalt  }
0x4d: {  	_ =	shalt  }
0x4e: {  	_ =	shalt  }
0x4f: {  	_ =	shalt  }
0x50: {  	_ =	shalt  }
0x51: {  	_ =	shalt  }
0x52: {  	_ =	shalt  }
0x53: {  	_ =	shalt  }
0x54: {  	_ =	shalt  }
0x55: {  	_ =	shalt  }
0x56: {  	_ =	shalt  }
0x57: {  	_ =	shalt  }
0x58: {  	_ =	shalt  }
0x59: {  	_ =	shalt  }
0x5a: {  	_ =	shalt  }
0x5b: {  	_ =	shalt  }
0x5c: {  	_ =	shalt  }
0x5d: {  	_ =	shalt  }
0x5e: {  	_ =	shalt  }
0x5f: {  	_ =	shalt  }
0x60: {  	_ =	shalt  }
0x61: {  	_ =	shalt  }
0x62: {  	_ =	shalt  }
0x63: {  	_ =	shalt  }
0x64: {  	_ =	shalt  }
0x65: {  	_ =	shalt  }
0x66: {  	_ =	shalt  }
0x67: {  	_ =	shalt  }
0x68: {  	_ =	shalt  }
0x69: {  	_ =	shalt  }
0x6a: {  	_ =	shalt  }
0x6b: {  	_ =	shalt  }
0x6c: {  	_ =	shalt  }
0x6d: {  	_ =	shalt  }
0x6e: {  	_ =	shalt  }
0x6f: {  	_ =	shalt  }
0x70: {  	_ =	shalt  }
0x71: {  	_ =	shalt  }
0x72: {  	_ =	shalt  }
0x73: {  	_ =	shalt  }
0x74: {  	_ =	shalt  }
0x75: {  	_ =	shalt  }
0x76: {  	_ =	shalt  }
0x77: {  	_ =	shalt  }
0x78: {  	_ =	shalt  }
0x79: {  	_ =	shalt  }
0x7a: {  	_ =	shalt  }
0x7b: {  	_ =	shalt  }
0x7c: {  	_ =	shalt  }
0x7d: {  	_ =	shalt  }
0x7e: {  	_ =	shalt  }
0x7f: {  	_ =	shalt  }
0x80: {  	_ =	shalt  }
0x81: {  	_ =	shalt  }
0x82: {  	_ =	shalt  }
0x83: {  	_ =	shalt  }
0x84: {  	_ =	shalt  }
0x85: {  	_ =	shalt  }
0x86: {  	_ =	shalt  }
0x87: {  	_ =	shalt  }
.Lfunc_end0:
.L_simem_size_0:
called_computation_lowered:
.L_overlay_start_0:
0x88: {  	s2 =	sld [smem:$0x3FD9]  }
0x89: {  	s3 =	sld [smem:$0x3FFE];
	_ =	sdelay $0x1  }
0x8a: {  	s1 =	srdreg.scid  }
0x8b: {  	s0 =	sand.u32 $0x1, s1  }
0x8c: {  	s17 =	sshll.u32 s0, $0xA;
	s2 =	sadd.s32 s3, s2  }
0x8d: {  	s2 =	sadd.s32 s2, s17  }
0x8e: {  	[smem:$0x3FC3] =	sst s2  }
0x8f: {  	_ = 	snop  }
0x90: {  	s2 =	sld [smem:$0x3FC7]  }
0x91: {  	s18 =	sld [smem:$0x3FC6]  }
0x92: {  	s4 =	sld [smem:$0x3FC5];
	(tm) =	ssettm $0x1  }
0x93: {  	s5 =	sld [smem:$0x3FFB];
	_ =	sdelay $0x3  }
0x94: {  	_ =	strace s5  }
0x95: {  	s5 =	sld [smem:$0x3FFC];
	_ =	sdelay $0x3  }
0x96: {  	_ =	strace s5  }
0x97: {  	s5 =	sld [smem:$0x3FFD];
	_ =	sdelay $0x3  }
0x98: {  	_ =	strace s5  }
0x99: {  	_ =	strace $0x8FFFFFFF  }
0x9a: {  	s19 =	sld [smem:$0x3FDB];
	_ =	sdelay $0x1  }
0x9b: {  	s6 =	simm.s32 $_scs_section_size  }
0x9c: {  	s7 =	simm.s32 $_size__tile_overlayer_lowered;
	s8 =	simm.s32 $_tile_overlayer_lowered  }
0x9d: {  	s22 =	simm.s32 $0x1BFF;
	s21 =	sshll.u32 s8, $0x1;
	s5 =	sadd.s32 s6, s19  }
0x9e: {  	s9 =	simm.s32 $0x0;
	s20 =	sshll.u32 s7, $0x1;
	s7 =	sadd.s32 s21, s5  }
0x9f: {  	[timem:s9], [sflag:s22] =	dma.local [hbm:s7], s20  }
0xa0: {  	_ =	swait.ge [sflag:s22], s20  }
0xa1: {  	s6 =	ssub.s32 $0x0, s20;
	[sflag:s22] =	ssyncset.done $0x0  }
0xa2: {  	[sflag:s22] =	ssyncadd.s32 s6;
	_ =	sdelay $0x1  }
0xa3: {  	s23 =	simm.s32 $0x1B8B  }
0xa4: {  	_ =	swait.ge [sflag:s23], $0x1  }
0xa5: {  	[sflag:s23] =	ssyncset.done $0x0  }
0xa6: {  	s25 =	simm.s32 $0x1B8E;
	s24 =	sld [smem:$0x3FFE];
	[sflag:s23] =	ssyncadd.s32 $0xFFFFFFFF  }
0xa7: {  	s26 =	simm.s32 $execute0_lowered;
	[smem:$0x3FD2] =	sst s25  }
0xa8: {  	s7 =	sshll.u32 s26, $0x1;
	_ =	strace $0x80000046;
	[dreg:$0x1] =	wrdreg $0xFFFFFFFF  }
0xa9: {  	s28 =	simm.s32 $_size_execute0_lowered;
	s5 =	sadd.s32 s5, s7;
	[dreg:$0x0] =	wrdreg $0x0  }
0xaa: {  	s7 =	sshll.u32 s28, $0x1;
	[dreg:$0x2] =	wrdreg s5  }
0xab: {  	[dreg:$0x3] =	wrdreg s7  }
0xac: {  	[dreg:$0x4] =	wrdreg $0xC0  }
0xad: {  	_ =	task [dreg:s9], $0x5FFFF  }
0xae: {  	[dreg:$0x1] =	wrdreg $0xFFFFFFFF  }
0xaf: {  	[dreg:$0x0] =	wrdreg $0x60  }
0xb0: {  	[dreg:$0x2] =	wrdreg s24  }
0xb1: {  	[dreg:$0x3] =	wrdreg s2  }
0xb2: {  	[dreg:$0x4] =	wrdreg s18  }
0xb3: {  	[dreg:$0x5] =	wrdreg s4  }
0xb4: {  	[dreg:$0x6] =	wrdreg $0x9  }
0xb5: {  	_ =	task.clear_ibuf [dreg:s9], $0x7FFFF;
	_ =	strace $0x90000046  }
0xb6: {  	s29 =	simm.s32 $0x9;
	_ =	strace $0x80000048  }
0xb7: {  	_ =	swait.ge [sflag:s29], $0x1  }
0xb8: {  	[sflag:s29] =	ssyncadd.s32 $0xFFFFFFFF  }
0xb9: {  	_ =	strace $0x90000048  }
0xba: {  	_ =	sfence  }
0xbb: {  	s30 =	sld [smem:$0x0];
	_ =	sdelay $0x2  }
0xbc: {  	s31 =	sshll.u32 s1, $0xD;
	s1 =	sshrl.u32 s1, $0x2  }
0xbd: {  	s3 =	sand.u32 $0x4000, s31;
	s1 =	sadd.s32 s1, s30  }
0xbe: {  	s0 =	sor.u32 s3, s0;
	s1 =	sshll.u32 s1, $0x11  }
0xbf: {  	s0 =	sor.u32 s1, s0  }
0xc0: {  	s0 =	sadd.s32 $0x8F2B, s0  }
0xc1: {  	[sflag:s0] =	ssyncadd.remote.s32 $0x1  }
0xc2: {  	_ =	sfence.sel $0xFFFF  }
0xc3: {  	[dreg:$0x0] =	wrdreg $0xFFFFFFFF;
	(pc) =	sbr.abs _section_cstart, $3  }
0xc4: {  	[dreg:$0x1] =	wrdreg $0xFFFFFFFF  }
0xc5: {  	_ =	task.clear_ibuf [dreg:s9], $0x2FFFF;
	_ =	strace $0x9FFFFFFF  }
0xc6: {  	(tm) =	ssettm $0x7FFFFFFF  }
0xc7: {  	_ =	shalt  }
tec
execute0_lowered:
.L_overlay_start_1:
0x0: {  	(tag) =	ssettag $0x1  }
0x1: {  	s0 =	rddreg [dreg:$0x0]  }
0x2: {  	s1 =	rddreg [dreg:$0x1]  }
0x3: {  	s6 =	rddreg [dreg:$0x2]  }
0x4: {  	s7 =	rddreg [dreg:$0x3]  }
0x5: {  	s2 =	simm.s32 $0x0;
	s4 =	srdreg.scid;
	s8 =	stileid.u32  }
0x6: {  	s14 =	simm.s32 $0x80;
	s15 =	simm.s32 $0xE00;
	s16 =	simm.s32 $0x2E00  }
0x7: {  	s17 =	simm.s32 $0x4E00;
	s19 =	simm.s32 $0x6E00;
	s21 =	simm.s32 $0x8E00  }
0x8: {  	s23 =	simm.s32 $0xAE00;
	s28 =	simm.s32 $0xEE00;
	s30 =	simm.s32 $0x10E00  }
0x9: {  	s18 =	simm.s32 $0x14E00;
	s22 =	simm.s32 $0x16E00;
	s29 =	simm.s32 $0x18E00  }
0xa: {  	s20 =	simm.s32 $0x2;
	s24 =	simm.s32 $0x1CE00;
	s31 =	simm.s32 $0x0  }
0xb: {  	[smem:$0x7FF] =	sst s2;
	s3 =	sadd.s32 $0xF42400, s0;
	s5 =	sand.u32 $0x1, s4  }
0xc: {  	s8 =	sshll.u32 s8, $0x1;
	s4 =	sadd.s32 $0x16E3600, s0;
	s9 =	ssub.s32 $0x2, s5  }
0xd: {  	_ =	strace $0x80000047;
	s8 =	sor.u32 s5, s8;
	s25 =	sshrl.u32 s9, $0x1  }
0xe: {  	s10 =	sshll.u32 s8, $0x6;
	s11 =	smul.u32 $0x140, s8;
	s26 =	sshll.u32 s8, $0x1  }
0xf: {  	s12 =	ssub.s32 s9, s25;
	s5 =	sadd.s32 s1, s10;
	s6 =	sadd.s32 s6, s10  }
0x10: {  	s8 =	sadd.s32 s0, s26;
	s25 =	simm.s32 $0xCE00;
	s26 =	simm.s32 $0x1  }
0x11: {  	s0 =	simm.s32 $0x12E00;
	s1 =	simm.s32 $0x1AE00;
	s7 =	sadd.s32 s7, s11  }
0x12: {  	s9 =	sadd.s32 $0x200, s8;
	s10 =	smax.u32 s12, $0x1;
	s11 =	simm.s32 $0x3  }
.LBB2_1:
0x13: {  	[tilespmem:s2], [sflag:$0x3] =	stream.linear.gather [hbm4b:s5+s2], $0x200, $0x38;
	[tilespmem:$0x1CE10] =	vst v63  }
0x14: {  	_ =	swait.ge [sflag:s11], $0x200  }
0x15: {  	[sflag:s11] =	ssyncset.done $0x0  }
0x16: {  	s12 =	simm.s32 $0x200;
	[sflag:s11] =	ssyncadd.s32 $0xFFFFFE00  }
0x17: {  	[tilespmem:s12], [sflag:$0x3] =	stream.linear.gather [hbm4b:s6+s2], $0x200, $0x38;
	[tilespmem:$0x1CE10] =	vst v63  }
0x18: {  	_ =	swait.ge [sflag:s11], $0x200  }
0x19: {  	[sflag:s11] =	ssyncset.done $0x0  }
0x1a: {  	s13 =	simm.s32 $0x400;
	[sflag:s11] =	ssyncadd.s32 $0xFFFFFE00  }
0x1b: {  	[tilespmem:s13], [sflag:$0x3] =	stream.linear.gather [hbm4b:s7+s2], $0xA00, $0x38;
	[tilespmem:$0x1CE10] =	vst v63  }
0x1c: {  	_ =	swait.ge [sflag:s11], $0xA00  }
0x1d: {  	[sflag:s11] =	ssyncset.done $0x0  }
0x1e: {  	[sflag:s11] =	ssyncadd.s32 $0xFFFFF600  }
0x1f: {  	[tilespmem:s15], [sflag:$0x1] =	stream.indirect.gather [hbm4b:s3+s14], $0x40, s2, s14, $0xb8;
	[tilespmem:$0x1CE10] =	vst v63  }
0x20: {  	_ = 	snop  }
0x21: {  	[tilespmem:s16], [sflag:$0x1] =	stream.indirect.gather [hbm4b:s4+s14], $0x40, s12, s14, $0xb8;
	[tilespmem:$0x1CE10] =	vst v63  }
0x22: {  	_ = 	snop  }
0x23: {  	[tilespmem:s17], [sflag:$0x1] =	stream.indirect.gather [hbm4b:s4+s14], $0x40, s13, s14, $0xb8;
	[tilespmem:$0x1CE10] =	vst v63  }
0x24: {  	s13 =	simm.s32 $0x600  }
0x25: {  	[tilespmem:s19], [sflag:$0x1] =	stream.indirect.gather [hbm4b:s4+s14], $0x40, s13, s14, $0xb8;
	[tilespmem:$0x1CE10] =	vst v63  }
0x26: {  	s13 =	simm.s32 $0x800  }
0x27: {  	[tilespmem:s21], [sflag:$0x1] =	stream.indirect.gather [hbm4b:s4+s14], $0x40, s13, s14, $0xb8;
	[tilespmem:$0x1CE10] =	vst v63  }
0x28: {  	s13 =	simm.s32 $0xA00  }
0x29: {  	[tilespmem:s23], [sflag:$0x1] =	stream.indirect.gather [hbm4b:s4+s14], $0x40, s13, s14, $0xb8;
	[tilespmem:$0x1CE10] =	vst v63  }
0x2a: {  	s13 =	simm.s32 $0xC00  }
0x2b: {  	[tilespmem:s25], [sflag:$0x1] =	stream.indirect.gather [hbm4b:s4+s14], $0x40, s13, s14, $0xb8;
	[tilespmem:$0x1CE10] =	vst v63  }
0x2c: {  	_ =	swait.ge [sflag:s26], $0x2000  }
0x2d: {  	[sflag:s26] =	ssyncset.done $0x0  }
0x2e: {  	[sflag:s26] =	ssyncadd.s32 $0xFFFFE000  }
0x2f: {  	_ =	swait.ge [sflag:s26], $0x2000  }
0x30: {  	[sflag:s26] =	ssyncset.done $0x0  }
0x31: {  	[sflag:s26] =	ssyncadd.s32 $0xFFFFE000  }
0x32: {  	_ =	swait.ge [sflag:s26], $0x2000  }
0x33: {  	[sflag:s26] =	ssyncset.done $0x0  }
0x34: {  	[sflag:s26] =	ssyncadd.s32 $0xFFFFE000  }
0x35: {  	_ =	swait.ge [sflag:s26], $0x2000  }
0x36: {  	[sflag:s26] =	ssyncset.done $0x0  }
0x37: {  	[sflag:s26] =	ssyncadd.s32 $0xFFFFE000  }
0x38: {  	_ =	swait.ge [sflag:s26], $0x2000  }
0x39: {  	[sflag:s26] =	ssyncset.done $0x0  }
0x3a: {  	[sflag:s26] =	ssyncadd.s32 $0xFFFFE000  }
0x3b: {  	_ =	swait.ge [sflag:s26], $0x2000  }
0x3c: {  	[sflag:s26] =	ssyncset.done $0x0  }
0x3d: {  	[sflag:s26] =	ssyncadd.s32 $0xFFFFE000  }
0x3e: {  	_ =	swait.ge [sflag:s26], $0x2000  }
0x3f: {  	[sflag:s26] =	ssyncset.done $0x0  }
0x40: {  	[sflag:s26] =	ssyncadd.s32 $0xFFFFE000  }
0x41: {  	[tilespmem:s28], [sflag:$0x2] =	stream.indirect.gather [hbm4b:s3+s14], $0x40, s14, s14, $0xb8;
	[tilespmem:$0x1CE10] =	vst v63  }
0x42: {  	s13 =	simm.s32 $0x280  }
0x43: {  	[tilespmem:s30], [sflag:$0x2] =	stream.indirect.gather [hbm4b:s4+s14], $0x40, s13, s14, $0xb8;
	[tilespmem:$0x1CE10] =	vst v63  }
0x44: {  	s13 =	simm.s32 $0x480  }
0x45: {  	[tilespmem:s0], [sflag:$0x2] =	stream.indirect.gather [hbm4b:s4+s14], $0x40, s13, s14, $0xb8;
	[tilespmem:$0x1CE10] =	vst v63  }
0x46: {  	s13 =	simm.s32 $0x680  }
0x47: {  	[tilespmem:s18], [sflag:$0x2] =	stream.indirect.gather [hbm4b:s4+s14], $0x40, s13, s14, $0xb8;
	[tilespmem:$0x1CE10] =	vst v63  }
0x48: {  	s13 =	simm.s32 $0x880  }
0x49: {  	[tilespmem:s22], [sflag:$0x2] =	stream.indirect.gather [hbm4b:s4+s14], $0x40, s13, s14, $0xb8;
	[tilespmem:$0x1CE10] =	vst v63  }
0x4a: {  	s13 =	simm.s32 $0xA80  }
0x4b: {  	[tilespmem:s29], [sflag:$0x2] =	stream.indirect.gather [hbm4b:s4+s14], $0x40, s13, s14, $0xb8;
	[tilespmem:$0x1CE10] =	vst v63  }
0x4c: {  	s12 =	simm.s32 $0x0;
	s13 =	simm.s32 $0xC80  }
0x4d: {  	[tilespmem:s1], [sflag:$0x2] =	stream.indirect.gather [hbm4b:s4+s14], $0x40, s13, s14, $0xb8;
	[tilespmem:$0x1CE10] =	vst v63  }
0x4e: {  	v1 =	vld [tilespmem:s12+$0xE30]  }
0x4f: {  	v0 =	vld [tilespmem:s12+$0x2E30]  }
0x50: {  	v4 =	vld [tilespmem:s12+$0x4E30]  }
0x51: {  	v5 =	vld [tilespmem:s12+$0x6E30]  }
0x52: {  	v7 =	vld [tilespmem:s12+$0x8E30]  }
0x53: {  	v3 =	vld [tilespmem:s12+$0xE20]  }
0x54: {  	v9 =	vld [tilespmem:s12+$0x2E20]  }
0x55: {  	v2 =	vld [tilespmem:s12+$0x4E20]  }
0x56: {  	v11 =	vld [tilespmem:s12+$0x6E20]  }
0x57: {  	v6 =	vld [tilespmem:s12+$0xE10]  }
0x58: {  	v8 =	vld [tilespmem:s12+$0xE00]  }
0x59: {  	v10 =	vld [tilespmem:s12+$0x2E00]  }
0x5a: {  	v13 =	vld [tilespmem:s12+$0x4E00]  }
0x5b: {  	v18 =	vld [tilespmem:s12+$0x2E10]  }
0x5c: {  	v20 =	vld [tilespmem:s12+$0x4E10]  }
0x5d: {  	v12 =	vld [tilespmem:s12+$0x8E20];
	v15 =	vmul.f32 v0, v1;
	v14 =	vmul.f32 v4, v1  }
0x5e: {  	v16 =	vld [tilespmem:s12+$0x6E10];
	v5 =	vmul.f32 v5, v1;
	v4 =	vmul.f32 v7, v1  }
0x5f: {  	v17 =	vld [tilespmem:s12+$0x8E10];
	v0 =	vmul.f32 v10, v8;
	v10 =	vmul.f32 v13, v8  }
0x60: {  	v19 =	vld [tilespmem:s12+$0x6E00];
	v7 =	vimm.f32 $0.0e+00;
	v22 =	vmul.f32 v18, v6;
	v21 =	vmul.f32 v9, v3  }
0x61: {  	v18 =	vld [tilespmem:s12+$0x8E00];
	v25 =	vmul.f32 v20, v6;
	v13 =	vimm.f32 $0.0e+00;
	v9 =	vimm.f32 $0.0e+00  }
0x62: {  	s13 =	simm.s32 $0x100;
	v20 =	vld [tilespmem:s12+$0xAE00];
	v23 =	vadd.f32 v0, v7;
	v24 =	vadd.f32 v10, v7;
	v10 =	vimm.f32 $0.0e+00  }
.LBB2_2:
0x63: {  	p0 =	sne.s32 s13, $0x7F00;
	v0 =	vld [tilespmem:s12+$0xCE00];
	v2 =	vmul.f32 v2, v3;
	v11 =	vmul.f32 v11, v3  }
0x64: {  	v12 =	vmul.f32 v12, v3;
	v22 =	vadd.f32 v22, v23;
	v23 =	vadd.f32 v25, v24;
	v24 =	vld [tilespmem:s12+$0xAE10]  }
0x65: {  	v16 =	vmul.f32 v16, v6;
	v17 =	vmul.f32 v17, v6;
	v25 =	vld [tilespmem:s12+$0xCE10]  }
0x66: {  	v19 =	vmul.f32 v19, v8;
	v21 =	vadd.f32 v21, v22;
	v2 =	vadd.f32 v2, v23;
	v22 =	vld [tilespmem:s12+$0xAE20]  }
0x67: {  	v18 =	vmul.f32 v18, v8;
	v20 =	vmul.f32 v20, v8;
	v23 =	vld [tilespmem:s12+$0xCE20]  }
0x68: {  	v0 =	vmul.f32 v0, v8;
	v26 =	vadd.f32 v15, v21;
	v27 =	vadd.f32 v14, v2;
	v2 =	vld [tilespmem:s12+$0xAE30]  }
0x69: {  	v7 =	vadd.f32 v19, v7;
	v8 =	vadd.f32 v18, v13;
	v13 =	vmul.f32 v24, v6;
	v14 =	vld [tilespmem:s12+$0xCE30];
	s12 =	sshra.s32 s13, $0x2  }
0x6a: {  	v10 =	vadd.f32 v20, v10;
	v15 =	vld [tilespmem:s12+$0xE30];
	v0 =	vadd.f32 v0, v9;
	v6 =	vmul.f32 v25, v6  }
0x6b: {  	v7 =	vadd.f32 v16, v7;
	v8 =	vadd.f32 v17, v8;
	v18 =	vld [tilespmem:s12+$0x2E30];
	v9 =	vmul.f32 v22, v3  }
0x6c: {  	v10 =	vadd.f32 v13, v10;
	v17 =	vld [tilespmem:s12+$0x4E30];
	v0 =	vadd.f32 v6, v0;
	v3 =	vmul.f32 v23, v3  }
0x6d: {  	v6 =	vadd.f32 v11, v7;
	v8 =	vadd.f32 v12, v8;
	v19 =	vld [tilespmem:s12+$0x6E30];
	v2 =	vmul.f32 v2, v1  }
0x6e: {  	v9 =	vadd.f32 v9, v10;
	v20 =	vld [tilespmem:s12+$0x8E30];
	v0 =	vadd.f32 v3, v0;
	v11 =	vmul.f32 v14, v1  }
0x6f: {  	v7 =	vadd.f32 v5, v6;
	v13 =	vadd.f32 v4, v8;
	v3 =	vld [tilespmem:s12+$0xE20];
	v1 =	vmov v15  }
0x70: {  	v10 =	vadd.f32 v2, v9;
	v21 =	vld [tilespmem:s12+$0x2E20];
	v9 =	vadd.f32 v11, v0  }
0x71: {  	v2 =	vld [tilespmem:s12+$0x4E20]  }
0x72: {  	v11 =	vld [tilespmem:s12+$0x6E20]  }
0x73: {  	v12 =	vld [tilespmem:s12+$0x8E20]  }
0x74: {  	v6 =	vld [tilespmem:s12+$0xE10]  }
0x75: {  	v8 =	vld [tilespmem:s12+$0xE00]  }
0x76: {  	v0 =	vld [tilespmem:s12+$0x2E00]  }
0x77: {  	v22 =	vld [tilespmem:s12+$0x4E00]  }
0x78: {  	v23 =	vld [tilespmem:s12+$0x2E10]  }
0x79: {  	v25 =	vld [tilespmem:s12+$0x4E10]  }
.Ltmp0:
0x7a: {  	v15 =	vmul.f32 v18, v1;
	v14 =	vmul.f32 v17, v1;
	v16 =	vld [tilespmem:s12+$0x6E10];
	(pc) =	sbr.rel @p0 .LBB2_2-.Ltmp0, $4  }
0x7b: {  	v5 =	vmul.f32 v19, v1;
	v4 =	vmul.f32 v20, v1;
	v17 =	vld [tilespmem:s12+$0x8E10]  }
0x7c: {  	v0 =	vmul.f32 v0, v8;
	v20 =	vmul.f32 v22, v8;
	v19 =	vld [tilespmem:s12+$0x6E00]  }
0x7d: {  	v21 =	vmul.f32 v21, v3;
	v18 =	vld [tilespmem:s12+$0x8E00];
	v22 =	vmul.f32 v23, v6  }
0x7e: {  	s13 =	sadd.s32 $0x100, s13;
	v23 =	vadd.f32 v0, v26;
	v24 =	vadd.f32 v20, v27;
	v20 =	vld [tilespmem:s12+$0xAE00];
	v25 =	vmul.f32 v25, v6  }
0x7f: {  	v26 =	vld [tilespmem:s12+$0xCE00]  }
0x80: {  	v27 =	vld [tilespmem:s12+$0xAE10]  }
0x81: {  	v28 =	vld [tilespmem:s12+$0xCE10]  }
0x82: {  	v29 =	vld [tilespmem:s12+$0xAE20]  }
0x83: {  	v30 =	vld [tilespmem:s12+$0xCE20]  }
0x84: {  	v31 =	vld [tilespmem:s12+$0xAE30]  }
0x85: {  	v32 =	vld [tilespmem:s12+$0xCE30];
	_ =	swait.ge [sflag:s20], $0x2000  }
0x86: {  	[sflag:s20] =	ssyncset.done $0x0  }
0x87: {  	[sflag:s20] =	ssyncadd.s32 $0xFFFFE000  }
0x88: {  	_ =	swait.ge [sflag:s20], $0x2000  }
0x89: {  	[sflag:s20] =	ssyncset.done $0x0  }
0x8a: {  	[sflag:s20] =	ssyncadd.s32 $0xFFFFE000  }
0x8b: {  	_ =	swait.ge [sflag:s20], $0x2000  }
0x8c: {  	[sflag:s20] =	ssyncset.done $0x0  }
0x8d: {  	[sflag:s20] =	ssyncadd.s32 $0xFFFFE000  }
0x8e: {  	_ =	swait.ge [sflag:s20], $0x2000  }
0x8f: {  	[sflag:s20] =	ssyncset.done $0x0  }
0x90: {  	[sflag:s20] =	ssyncadd.s32 $0xFFFFE000  }
0x91: {  	_ =	swait.ge [sflag:s20], $0x2000  }
0x92: {  	[sflag:s20] =	ssyncset.done $0x0  }
0x93: {  	[sflag:s20] =	ssyncadd.s32 $0xFFFFE000  }
0x94: {  	_ =	swait.ge [sflag:s20], $0x2000  }
0x95: {  	[sflag:s20] =	ssyncset.done $0x0  }
0x96: {  	[sflag:s20] =	ssyncadd.s32 $0xFFFFE000  }
0x97: {  	_ =	swait.ge [sflag:s20], $0x2000  }
0x98: {  	[sflag:s20] =	ssyncset.done $0x0  }
0x99: {  	s13 =	simm.s32 $0x100;
	[sflag:s20] =	ssyncadd.s32 $0xFFFFE000  }
0x9a: {  	[tilespmem:s15], [sflag:$0x1] =	stream.indirect.gather [hbm4b:s3+s14], $0x40, s13, s14, $0xb8;
	[tilespmem:$0x1CE10] =	vst v63  }
0x9b: {  	s13 =	simm.s32 $0x300  }
0x9c: {  	[tilespmem:s16], [sflag:$0x1] =	stream.indirect.gather [hbm4b:s4+s14], $0x40, s13, s14, $0xb8;
	[tilespmem:$0x1CE10] =	vst v63  }
0x9d: {  	s13 =	simm.s32 $0x500  }
0x9e: {  	[tilespmem:s17], [sflag:$0x1] =	stream.indirect.gather [hbm4b:s4+s14], $0x40, s13, s14, $0xb8;
	[tilespmem:$0x1CE10] =	vst v63  }
0x9f: {  	s13 =	simm.s32 $0x700  }
0xa0: {  	[tilespmem:s19], [sflag:$0x1] =	stream.indirect.gather [hbm4b:s4+s14], $0x40, s13, s14, $0xb8;
	[tilespmem:$0x1CE10] =	vst v63  }
0xa1: {  	s13 =	simm.s32 $0x900  }
0xa2: {  	[tilespmem:s21], [sflag:$0x1] =	stream.indirect.gather [hbm4b:s4+s14], $0x40, s13, s14, $0xb8;
	[tilespmem:$0x1CE10] =	vst v63  }
0xa3: {  	s13 =	simm.s32 $0xB00  }
0xa4: {  	[tilespmem:s23], [sflag:$0x1] =	stream.indirect.gather [hbm4b:s4+s14], $0x40, s13, s14, $0xb8;
	[tilespmem:$0x1CE10] =	vst v63  }
0xa5: {  	s12 =	simm.s32 $0x0;
	s13 =	simm.s32 $0xD00  }
0xa6: {  	[tilespmem:s25], [sflag:$0x1] =	stream.indirect.gather [hbm4b:s4+s14], $0x40, s13, s14, $0xb8;
	[tilespmem:$0x1CE10] =	vst v63  }
0xa7: {  	v0 =	vld [tilespmem:s12+$0xEE30]  }
0xa8: {  	v33 =	vld [tilespmem:s12+$0x10E30]  }
0xa9: {  	v34 =	vld [tilespmem:s12+$0x12E30]  }
0xaa: {  	v2 =	vmul.f32 v2, v3;
	v22 =	vadd.f32 v22, v23;
	v23 =	vadd.f32 v25, v24;
	v24 =	vld [tilespmem:s12+$0x14E30]  }
0xab: {  	v25 =	vld [tilespmem:s12+$0x16E30]  }
0xac: {  	v19 =	vmul.f32 v19, v8;
	v21 =	vadd.f32 v21, v22;
	v22 =	vadd.f32 v2, v23;
	v2 =	vld [tilespmem:s12+$0xEE20]  }
0xad: {  	v16 =	vmul.f32 v16, v6;
	v23 =	vld [tilespmem:s12+$0x10E20]  }
0xae: {  	v18 =	vmul.f32 v18, v8;
	v19 =	vadd.f32 v19, v7;
	v35 =	vadd.f32 v14, v22;
	v14 =	vld [tilespmem:s12+$0x12E20]  }
0xaf: {  	v21 =	vadd.f32 v15, v21;
	v15 =	vmul.f32 v20, v8;
	v20 =	vmul.f32 v26, v8;
	v8 =	vld [tilespmem:s12+$0x14E20]  }
0xb0: {  	v17 =	vmul.f32 v17, v6;
	v13 =	vadd.f32 v18, v13;
	v18 =	vmul.f32 v28, v6;
	v7 =	vld [tilespmem:s12+$0x16E20]  }
0xb1: {  	v16 =	vadd.f32 v16, v19;
	v10 =	vadd.f32 v15, v10;
	v15 =	vmul.f32 v27, v6;
	v6 =	vld [tilespmem:s12+$0xEE10]  }
0xb2: {  	v11 =	vmul.f32 v11, v3;
	v9 =	vadd.f32 v20, v9;
	v17 =	vadd.f32 v17, v13;
	v13 =	vld [tilespmem:s12+$0xEE00]  }
0xb3: {  	v12 =	vmul.f32 v12, v3;
	v19 =	vmul.f32 v29, v3;
	v10 =	vadd.f32 v15, v10;
	v20 =	vld [tilespmem:s12+$0x10E00]  }
0xb4: {  	v3 =	vmul.f32 v30, v3;
	v11 =	vadd.f32 v11, v16;
	v9 =	vadd.f32 v18, v9;
	v22 =	vld [tilespmem:s12+$0x12E00]  }
0xb5: {  	v12 =	vadd.f32 v12, v17;
	v10 =	vadd.f32 v19, v10;
	v26 =	vld [tilespmem:s12+$0x10E10]  }
0xb6: {  	v3 =	vadd.f32 v3, v9;
	v19 =	vmul.f32 v31, v1;
	v1 =	vmul.f32 v32, v1;
	v27 =	vld [tilespmem:s12+$0x12E10]  }
0xb7: {  	v9 =	vadd.f32 v5, v11;
	v17 =	vld [tilespmem:s12+$0x14E10];
	v16 =	vmul.f32 v33, v0;
	v15 =	vmul.f32 v34, v0  }
0xb8: {  	v11 =	vadd.f32 v4, v12;
	v18 =	vld [tilespmem:s12+$0x16E10];
	v5 =	vmul.f32 v24, v0;
	v4 =	vmul.f32 v25, v0  }
0xb9: {  	v10 =	vadd.f32 v19, v10;
	v19 =	vld [tilespmem:s12+$0x16E00];
	v24 =	vmul.f32 v20, v13;
	v25 =	vmul.f32 v22, v13  }
0xba: {  	v12 =	vadd.f32 v1, v3;
	v20 =	vld [tilespmem:s12+$0x14E00];
	v22 =	vmul.f32 v26, v6;
	v3 =	vmul.f32 v23, v2  }
0xbb: {  	s13 =	simm.s32 $0x100;
	v23 =	vadd.f32 v24, v21;
	v24 =	vadd.f32 v25, v35;
	v21 =	vld [tilespmem:s12+$0x18E00];
	v25 =	vmul.f32 v27, v6  }
.LBB2_4:
0xbc: {  	p0 =	sne.s32 s13, $0x7F00;
	v1 =	vld [tilespmem:s12+$0x1AE00];
	v14 =	vmul.f32 v14, v2;
	v8 =	vmul.f32 v8, v2  }
0xbd: {  	v7 =	vmul.f32 v7, v2;
	v22 =	vadd.f32 v22, v23;
	v23 =	vadd.f32 v25, v24;
	v24 =	vld [tilespmem:s12+$0x18E10]  }
0xbe: {  	v17 =	vmul.f32 v17, v6;
	v18 =	vmul.f32 v18, v6;
	v25 =	vld [tilespmem:s12+$0x1AE10]  }
0xbf: {  	v20 =	vmul.f32 v20, v13;
	v3 =	vadd.f32 v3, v22;
	v14 =	vadd.f32 v14, v23;
	v22 =	vld [tilespmem:s12+$0x18E20]  }
0xc0: {  	v19 =	vmul.f32 v19, v13;
	v21 =	vmul.f32 v21, v13;
	v23 =	vld [tilespmem:s12+$0x1AE20]  }
0xc1: {  	v1 =	vmul.f32 v1, v13;
	v26 =	vadd.f32 v16, v3;
	v27 =	vadd.f32 v15, v14;
	v3 =	vld [tilespmem:s12+$0x18E30]  }
0xc2: {  	v9 =	vadd.f32 v20, v9;
	v11 =	vadd.f32 v19, v11;
	v13 =	vmul.f32 v24, v6;
	v14 =	vld [tilespmem:s12+$0x1AE30];
	s12 =	sshra.s32 s13, $0x2  }
0xc3: {  	v10 =	vadd.f32 v21, v10;
	v15 =	vld [tilespmem:s12+$0xEE30];
	v1 =	vadd.f32 v1, v12;
	v6 =	vmul.f32 v25, v6  }
0xc4: {  	v9 =	vadd.f32 v17, v9;
	v11 =	vadd.f32 v18, v11;
	v16 =	vld [tilespmem:s12+$0x10E30];
	v12 =	vmul.f32 v22, v2  }
0xc5: {  	v10 =	vadd.f32 v13, v10;
	v18 =	vld [tilespmem:s12+$0x12E30];
	v1 =	vadd.f32 v6, v1;
	v2 =	vmul.f32 v23, v2  }
0xc6: {  	v6 =	vadd.f32 v8, v9;
	v7 =	vadd.f32 v7, v11;
	v19 =	vld [tilespmem:s12+$0x14E30];
	v3 =	vmul.f32 v3, v0  }
0xc7: {  	v8 =	vadd.f32 v12, v10;
	v20 =	vld [tilespmem:s12+$0x16E30];
	v1 =	vadd.f32 v2, v1;
	v12 =	vmul.f32 v14, v0  }
0xc8: {  	v9 =	vadd.f32 v5, v6;
	v11 =	vadd.f32 v4, v7;
	v2 =	vld [tilespmem:s12+$0xEE20];
	v0 =	vmov v15  }
0xc9: {  	v10 =	vadd.f32 v3, v8;
	v21 =	vld [tilespmem:s12+$0x10E20];
	v12 =	vadd.f32 v12, v1  }
0xca: {  	v14 =	vld [tilespmem:s12+$0x12E20]  }
0xcb: {  	v8 =	vld [tilespmem:s12+$0x14E20]  }
0xcc: {  	v7 =	vld [tilespmem:s12+$0x16E20]  }
0xcd: {  	v6 =	vld [tilespmem:s12+$0xEE10]  }
0xce: {  	v13 =	vld [tilespmem:s12+$0xEE00]  }
0xcf: {  	v1 =	vld [tilespmem:s12+$0x10E00]  }
0xd0: {  	v3 =	vld [tilespmem:s12+$0x12E00]  }
0xd1: {  	v22 =	vld [tilespmem:s12+$0x10E10]  }
0xd2: {  	v25 =	vld [tilespmem:s12+$0x12E10]  }
.Ltmp1:
0xd3: {  	v16 =	vmul.f32 v16, v0;
	v15 =	vmul.f32 v18, v0;
	v17 =	vld [tilespmem:s12+$0x14E10];
	(pc) =	sbr.rel @p0 .LBB2_4-.Ltmp1, $4  }
0xd4: {  	v5 =	vmul.f32 v19, v0;
	v4 =	vmul.f32 v20, v0;
	v18 =	vld [tilespmem:s12+$0x16E10]  }
0xd5: {  	v1 =	vmul.f32 v1, v13;
	v24 =	vmul.f32 v3, v13;
	v20 =	vld [tilespmem:s12+$0x14E00]  }
0xd6: {  	v3 =	vmul.f32 v21, v2;
	v19 =	vld [tilespmem:s12+$0x16E00];
	v22 =	vmul.f32 v22, v6  }
0xd7: {  	s13 =	sadd.s32 $0x100, s13;
	v23 =	vadd.f32 v1, v26;
	v24 =	vadd.f32 v24, v27;
	v21 =	vld [tilespmem:s12+$0x18E00];
	v25 =	vmul.f32 v25, v6  }
0xd8: {  	v26 =	vld [tilespmem:s12+$0x1AE00]  }
0xd9: {  	v27 =	vld [tilespmem:s12+$0x18E10]  }
0xda: {  	v28 =	vld [tilespmem:s12+$0x1AE10]  }
0xdb: {  	v29 =	vld [tilespmem:s12+$0x18E20]  }
0xdc: {  	v30 =	vld [tilespmem:s12+$0x1AE20]  }
0xdd: {  	v31 =	vld [tilespmem:s12+$0x18E30]  }
0xde: {  	v32 =	vld [tilespmem:s12+$0x1AE30];
	_ =	swait.ge [sflag:s26], $0x2000  }
0xdf: {  	[sflag:s26] =	ssyncset.done $0x0  }
0xe0: {  	[sflag:s26] =	ssyncadd.s32 $0xFFFFE000  }
0xe1: {  	_ =	swait.ge [sflag:s26], $0x2000  }
0xe2: {  	[sflag:s26] =	ssyncset.done $0x0  }
0xe3: {  	[sflag:s26] =	ssyncadd.s32 $0xFFFFE000  }
0xe4: {  	_ =	swait.ge [sflag:s26], $0x2000  }
0xe5: {  	[sflag:s26] =	ssyncset.done $0x0  }
0xe6: {  	[sflag:s26] =	ssyncadd.s32 $0xFFFFE000  }
0xe7: {  	_ =	swait.ge [sflag:s26], $0x2000  }
0xe8: {  	[sflag:s26] =	ssyncset.done $0x0  }
0xe9: {  	[sflag:s26] =	ssyncadd.s32 $0xFFFFE000  }
0xea: {  	_ =	swait.ge [sflag:s26], $0x2000  }
0xeb: {  	[sflag:s26] =	ssyncset.done $0x0  }
0xec: {  	[sflag:s26] =	ssyncadd.s32 $0xFFFFE000  }
0xed: {  	_ =	swait.ge [sflag:s26], $0x2000  }
0xee: {  	[sflag:s26] =	ssyncset.done $0x0  }
0xef: {  	[sflag:s26] =	ssyncadd.s32 $0xFFFFE000  }
0xf0: {  	_ =	swait.ge [sflag:s26], $0x2000  }
0xf1: {  	[sflag:s26] =	ssyncset.done $0x0  }
0xf2: {  	s13 =	simm.s32 $0x180;
	[sflag:s26] =	ssyncadd.s32 $0xFFFFE000  }
0xf3: {  	[tilespmem:s28], [sflag:$0x2] =	stream.indirect.gather [hbm4b:s3+s14], $0x40, s13, s14, $0xb8;
	[tilespmem:$0x1CE10] =	vst v63  }
0xf4: {  	s13 =	simm.s32 $0x380  }
0xf5: {  	[tilespmem:s30], [sflag:$0x2] =	stream.indirect.gather [hbm4b:s4+s14], $0x40, s13, s14, $0xb8;
	[tilespmem:$0x1CE10] =	vst v63  }
0xf6: {  	s13 =	simm.s32 $0x580  }
0xf7: {  	[tilespmem:s0], [sflag:$0x2] =	stream.indirect.gather [hbm4b:s4+s14], $0x40, s13, s14, $0xb8;
	[tilespmem:$0x1CE10] =	vst v63  }
0xf8: {  	s13 =	simm.s32 $0x780  }
0xf9: {  	[tilespmem:s18], [sflag:$0x2] =	stream.indirect.gather [hbm4b:s4+s14], $0x40, s13, s14, $0xb8;
	[tilespmem:$0x1CE10] =	vst v63  }
0xfa: {  	s13 =	simm.s32 $0x980  }
0xfb: {  	[tilespmem:s22], [sflag:$0x2] =	stream.indirect.gather [hbm4b:s4+s14], $0x40, s13, s14, $0xb8;
	[tilespmem:$0x1CE10] =	vst v63  }
0xfc: {  	s13 =	simm.s32 $0xB80  }
0xfd: {  	[tilespmem:s29], [sflag:$0x2] =	stream.indirect.gather [hbm4b:s4+s14], $0x40, s13, s14, $0xb8;
	[tilespmem:$0x1CE10] =	vst v63  }
0xfe: {  	s12 =	simm.s32 $0x0;
	s13 =	simm.s32 $0xD80  }
0xff: {  	[tilespmem:s1], [sflag:$0x2] =	stream.indirect.gather [hbm4b:s4+s14], $0x40, s13, s14, $0xb8;
	[tilespmem:$0x1CE10] =	vst v63  }
0x100: {  	v1 =	vld [tilespmem:s12+$0xE30]  }
0x101: {  	v33 =	vld [tilespmem:s12+$0x2E30]  }
0x102: {  	v34 =	vld [tilespmem:s12+$0x4E30]  }
0x103: {  	v14 =	vmul.f32 v14, v2;
	v22 =	vadd.f32 v22, v23;
	v23 =	vadd.f32 v25, v24;
	v24 =	vld [tilespmem:s12+$0x6E30]  }
0x104: {  	v25 =	vld [tilespmem:s12+$0x8E30]  }
0x105: {  	v22 =	vadd.f32 v3, v22;
	v14 =	vadd.f32 v14, v23;
	v3 =	vld [tilespmem:s12+$0xE20]  }
0x106: {  	v20 =	vmul.f32 v20, v13;
	v19 =	vmul.f32 v19, v13;
	v23 =	vld [tilespmem:s12+$0x2E20]  }
0x107: {  	v35 =	vadd.f32 v16, v22;
	v16 =	vmul.f32 v21, v13;
	v21 =	vadd.f32 v15, v14;
	v14 =	vld [tilespmem:s12+$0x4E20]  }
0x108: {  	v17 =	vmul.f32 v17, v6;
	v8 =	vmul.f32 v8, v2;
	v19 =	vadd.f32 v19, v11;
	v11 =	vld [tilespmem:s12+$0x6E20]  }
0x109: {  	v18 =	vmul.f32 v18, v6;
	v13 =	vmul.f32 v26, v13;
	v15 =	vadd.f32 v20, v9;
	v9 =	vld [tilespmem:s12+$0x8E20]  }
0x10a: {  	v20 =	vmul.f32 v28, v6;
	v10 =	vadd.f32 v16, v10;
	v16 =	vmul.f32 v27, v6;
	v6 =	vld [tilespmem:s12+$0xE10]  }
0x10b: {  	v7 =	vmul.f32 v7, v2;
	v12 =	vadd.f32 v13, v12;
	v15 =	vadd.f32 v17, v15;
	v13 =	vld [tilespmem:s12+$0xE00]  }
0x10c: {  	v17 =	vadd.f32 v18, v19;
	v18 =	vmul.f32 v29, v2;
	v10 =	vadd.f32 v16, v10;
	v19 =	vld [tilespmem:s12+$0x2E00]  }
0x10d: {  	v2 =	vmul.f32 v30, v2;
	v12 =	vadd.f32 v20, v12;
	v8 =	vadd.f32 v8, v15;
	v20 =	vld [tilespmem:s12+$0x4E00]  }
0x10e: {  	v22 =	vadd.f32 v7, v17;
	v26 =	vadd.f32 v18, v10;
	v27 =	vld [tilespmem:s12+$0x2E10]  }
0x10f: {  	v2 =	vadd.f32 v2, v12;
	v12 =	vmul.f32 v31, v0;
	v0 =	vmul.f32 v32, v0;
	v63 =	vld [tilespmem:s12+$0x4E10]  }
0x110: {  	v7 =	vadd.f32 v5, v8;
	v17 =	vld [tilespmem:s12+$0x6E10];
	v16 =	vmul.f32 v33, v1;
	v15 =	vmul.f32 v34, v1  }
0x111: {  	v10 =	vadd.f32 v4, v22;
	v18 =	vld [tilespmem:s12+$0x8E10];
	v5 =	vmul.f32 v24, v1;
	v4 =	vmul.f32 v25, v1  }
0x112: {  	v8 =	vadd.f32 v12, v26;
	v24 =	vmul.f32 v19, v13;
	v25 =	vmul.f32 v20, v13;
	v20 =	vld [tilespmem:s12+$0x6E00]  }
0x113: {  	v12 =	vadd.f32 v0, v2;
	v19 =	vld [tilespmem:s12+$0x8E00];
	v22 =	vmul.f32 v27, v6;
	v2 =	vmul.f32 v23, v3  }
0x114: {  	s13 =	simm.s32 $0x100;
	v23 =	vadd.f32 v24, v35;
	v24 =	vadd.f32 v25, v21;
	v21 =	vld [tilespmem:s12+$0xAE00];
	v25 =	vmul.f32 v63, v6  }
.LBB2_6:
0x115: {  	p0 =	sne.s32 s13, $0x7F00;
	v0 =	vld [tilespmem:s12+$0xCE00];
	v14 =	vmul.f32 v14, v3;
	v11 =	vmul.f32 v11, v3  }
0x116: {  	v9 =	vmul.f32 v9, v3;
	v22 =	vadd.f32 v22, v23;
	v23 =	vadd.f32 v25, v24;
	v24 =	vld [tilespmem:s12+$0xAE10]  }
0x117: {  	v17 =	vmul.f32 v17, v6;
	v18 =	vmul.f32 v18, v6;
	v25 =	vld [tilespmem:s12+$0xCE10]  }
0x118: {  	v20 =	vmul.f32 v20, v13;
	v2 =	vadd.f32 v2, v22;
	v14 =	vadd.f32 v14, v23;
	v22 =	vld [tilespmem:s12+$0xAE20]  }
0x119: {  	v19 =	vmul.f32 v19, v13;
	v21 =	vmul.f32 v21, v13;
	v23 =	vld [tilespmem:s12+$0xCE20]  }
0x11a: {  	v0 =	vmul.f32 v0, v13;
	v26 =	vadd.f32 v16, v2;
	v27 =	vadd.f32 v15, v14;
	v2 =	vld [tilespmem:s12+$0xAE30]  }
0x11b: {  	v7 =	vadd.f32 v20, v7;
	v10 =	vadd.f32 v19, v10;
	v13 =	vmul.f32 v24, v6;
	v14 =	vld [tilespmem:s12+$0xCE30];
	s12 =	sshra.s32 s13, $0x2  }
0x11c: {  	v8 =	vadd.f32 v21, v8;
	v15 =	vld [tilespmem:s12+$0xE30];
	v0 =	vadd.f32 v0, v12;
	v6 =	vmul.f32 v25, v6  }
0x11d: {  	v7 =	vadd.f32 v17, v7;
	v10 =	vadd.f32 v18, v10;
	v16 =	vld [tilespmem:s12+$0x2E30];
	v12 =	vmul.f32 v22, v3  }
0x11e: {  	v8 =	vadd.f32 v13, v8;
	v18 =	vld [tilespmem:s12+$0x4E30];
	v0 =	vadd.f32 v6, v0;
	v3 =	vmul.f32 v23, v3  }
0x11f: {  	v6 =	vadd.f32 v11, v7;
	v9 =	vadd.f32 v9, v10;
	v19 =	vld [tilespmem:s12+$0x6E30];
	v2 =	vmul.f32 v2, v1  }
0x120: {  	v8 =	vadd.f32 v12, v8;
	v20 =	vld [tilespmem:s12+$0x8E30];
	v0 =	vadd.f32 v3, v0;
	v11 =	vmul.f32 v14, v1  }
0x121: {  	v7 =	vadd.f32 v5, v6;
	v10 =	vadd.f32 v4, v9;
	v3 =	vld [tilespmem:s12+$0xE20];
	v1 =	vmov v15  }
0x122: {  	v8 =	vadd.f32 v2, v8;
	v21 =	vld [tilespmem:s12+$0x2E20];
	v12 =	vadd.f32 v11, v0  }
0x123: {  	v14 =	vld [tilespmem:s12+$0x4E20]  }
0x124: {  	v11 =	vld [tilespmem:s12+$0x6E20]  }
0x125: {  	v9 =	vld [tilespmem:s12+$0x8E20]  }
0x126: {  	v6 =	vld [tilespmem:s12+$0xE10]  }
0x127: {  	v13 =	vld [tilespmem:s12+$0xE00]  }
0x128: {  	v0 =	vld [tilespmem:s12+$0x2E00]  }
0x129: {  	v2 =	vld [tilespmem:s12+$0x4E00]  }
0x12a: {  	v22 =	vld [tilespmem:s12+$0x2E10]  }
0x12b: {  	v25 =	vld [tilespmem:s12+$0x4E10]  }
.Ltmp2:
0x12c: {  	v16 =	vmul.f32 v16, v1;
	v15 =	vmul.f32 v18, v1;
	v17 =	vld [tilespmem:s12+$0x6E10];
	(pc) =	sbr.rel @p0 .LBB2_6-.Ltmp2, $4  }
0x12d: {  	v5 =	vmul.f32 v19, v1;
	v4 =	vmul.f32 v20, v1;
	v18 =	vld [tilespmem:s12+$0x8E10]  }
0x12e: {  	v0 =	vmul.f32 v0, v13;
	v24 =	vmul.f32 v2, v13;
	v20 =	vld [tilespmem:s12+$0x6E00]  }
0x12f: {  	v2 =	vmul.f32 v21, v3;
	v19 =	vld [tilespmem:s12+$0x8E00];
	v22 =	vmul.f32 v22, v6  }
0x130: {  	s13 =	sadd.s32 $0x100, s13;
	v23 =	vadd.f32 v0, v26;
	v24 =	vadd.f32 v24, v27;
	v21 =	vld [tilespmem:s12+$0xAE00];
	v25 =	vmul.f32 v25, v6  }
0x131: {  	v26 =	vld [tilespmem:s12+$0xCE00]  }
0x132: {  	v27 =	vld [tilespmem:s12+$0xAE10]  }
0x133: {  	v28 =	vld [tilespmem:s12+$0xCE10]  }
0x134: {  	v29 =	vld [tilespmem:s12+$0xAE20]  }
0x135: {  	v30 =	vld [tilespmem:s12+$0xCE20]  }
0x136: {  	v31 =	vld [tilespmem:s12+$0xAE30]  }
0x137: {  	v32 =	vld [tilespmem:s12+$0xCE30];
	_ =	swait.ge [sflag:s20], $0x2000  }
0x138: {  	[sflag:s20] =	ssyncset.done $0x0  }
0x139: {  	[sflag:s20] =	ssyncadd.s32 $0xFFFFE000  }
0x13a: {  	_ =	swait.ge [sflag:s20], $0x2000  }
0x13b: {  	[sflag:s20] =	ssyncset.done $0x0  }
0x13c: {  	[sflag:s20] =	ssyncadd.s32 $0xFFFFE000  }
0x13d: {  	_ =	swait.ge [sflag:s20], $0x2000  }
0x13e: {  	[sflag:s20] =	ssyncset.done $0x0  }
0x13f: {  	[sflag:s20] =	ssyncadd.s32 $0xFFFFE000  }
0x140: {  	_ =	swait.ge [sflag:s20], $0x2000  }
0x141: {  	[sflag:s20] =	ssyncset.done $0x0  }
0x142: {  	[sflag:s20] =	ssyncadd.s32 $0xFFFFE000  }
0x143: {  	_ =	swait.ge [sflag:s20], $0x2000  }
0x144: {  	[sflag:s20] =	ssyncset.done $0x0  }
0x145: {  	[sflag:s20] =	ssyncadd.s32 $0xFFFFE000  }
0x146: {  	_ =	swait.ge [sflag:s20], $0x2000  }
0x147: {  	[sflag:s20] =	ssyncset.done $0x0  }
0x148: {  	[sflag:s20] =	ssyncadd.s32 $0xFFFFE000  }
0x149: {  	_ =	swait.ge [sflag:s20], $0x2000  }
0x14a: {  	[sflag:s20] =	ssyncset.done $0x0  }
0x14b: {  	s12 =	simm.s32 $0x0;
	[sflag:s20] =	ssyncadd.s32 $0xFFFFE000  }
0x14c: {  	v0 =	vld [tilespmem:s12+$0xEE30]  }
0x14d: {  	v33 =	vld [tilespmem:s12+$0x10E30]  }
0x14e: {  	v34 =	vld [tilespmem:s12+$0x12E30]  }
0x14f: {  	v14 =	vmul.f32 v14, v3;
	v22 =	vadd.f32 v22, v23;
	v23 =	vadd.f32 v25, v24;
	v24 =	vld [tilespmem:s12+$0x14E30]  }
0x150: {  	v25 =	vld [tilespmem:s12+$0x16E30]  }
0x151: {  	v22 =	vadd.f32 v2, v22;
	v14 =	vadd.f32 v14, v23;
	v2 =	vld [tilespmem:s12+$0xEE20]  }
0x152: {  	v20 =	vmul.f32 v20, v13;
	v19 =	vmul.f32 v19, v13;
	v23 =	vld [tilespmem:s12+$0x10E20]  }
0x153: {  	v22 =	vadd.f32 v16, v22;
	v16 =	vmul.f32 v21, v13;
	v35 =	vadd.f32 v15, v14;
	v14 =	vld [tilespmem:s12+$0x12E20]  }
0x154: {  	v17 =	vmul.f32 v17, v6;
	v20 =	vadd.f32 v20, v7;
	v15 =	vmul.f32 v26, v13;
	v13 =	vld [tilespmem:s12+$0x14E20]  }
0x155: {  	v18 =	vmul.f32 v18, v6;
	v10 =	vadd.f32 v19, v10;
	v8 =	vadd.f32 v16, v8;
	v7 =	vld [tilespmem:s12+$0x16E20]  }
0x156: {  	v12 =	vadd.f32 v15, v12;
	v15 =	vmul.f32 v27, v6;
	v16 =	vmul.f32 v28, v6;
	v6 =	vld [tilespmem:s12+$0xEE10]  }
0x157: {  	v11 =	vmul.f32 v11, v3;
	v17 =	vadd.f32 v17, v20;
	v18 =	vadd.f32 v18, v10;
	v10 =	vld [tilespmem:s12+$0xEE00]  }
0x158: {  	v19 =	vmul.f32 v29, v3;
	v8 =	vadd.f32 v15, v8;
	v20 =	vld [tilespmem:s12+$0x10E00]  }
0x159: {  	v9 =	vmul.f32 v9, v3;
	v3 =	vmul.f32 v30, v3;
	v11 =	vadd.f32 v11, v17;
	v17 =	vld [tilespmem:s12+$0x12E00]  }
0x15a: {  	v26 =	vmul.f32 v32, v1;
	v12 =	vadd.f32 v16, v12;
	v8 =	vadd.f32 v19, v8;
	v19 =	vld [tilespmem:s12+$0x10E10]  }
0x15b: {  	v15 =	vadd.f32 v9, v18;
	v18 =	vmul.f32 v31, v1;
	v9 =	vadd.f32 v5, v11;
	v27 =	vld [tilespmem:s12+$0x12E10]  }
0x15c: {  	v21 =	vadd.f32 v3, v12;
	v16 =	vld [tilespmem:s12+$0x14E10];
	v11 =	vmul.f32 v33, v0;
	v12 =	vmul.f32 v34, v0  }
0x15d: {  	v5 =	vadd.f32 v4, v15;
	v15 =	vld [tilespmem:s12+$0x16E10];
	v3 =	vmul.f32 v24, v0;
	v1 =	vmul.f32 v25, v0  }
0x15e: {  	v4 =	vadd.f32 v18, v8;
	v18 =	vld [tilespmem:s12+$0x14E00];
	v24 =	vmul.f32 v20, v10;
	v25 =	vmul.f32 v17, v10  }
0x15f: {  	v8 =	vadd.f32 v26, v21;
	v17 =	vld [tilespmem:s12+$0x16E00];
	v21 =	vmul.f32 v19, v6;
	v20 =	vmul.f32 v23, v2  }
0x160: {  	s13 =	simm.s32 $0x100;
	v19 =	vld [tilespmem:s12+$0x18E00];
	v22 =	vadd.f32 v24, v22;
	v23 =	vadd.f32 v25, v35;
	v24 =	vmul.f32 v27, v6  }
.LBB2_8:
0x161: {  	p0 =	sne.s32 s13, $0x7F00;
	v25 =	vld [tilespmem:s12+$0x1AE00];
	v14 =	vmul.f32 v14, v2;
	v13 =	vmul.f32 v13, v2  }
0x162: {  	v7 =	vmul.f32 v7, v2;
	v21 =	vadd.f32 v21, v22;
	v22 =	vadd.f32 v24, v23;
	v23 =	vld [tilespmem:s12+$0x18E10]  }
0x163: {  	v16 =	vmul.f32 v16, v6;
	v15 =	vmul.f32 v15, v6;
	v24 =	vld [tilespmem:s12+$0x1AE10]  }
0x164: {  	v18 =	vmul.f32 v18, v10;
	v20 =	vadd.f32 v20, v21;
	v14 =	vadd.f32 v14, v22;
	v21 =	vld [tilespmem:s12+$0x18E20]  }
0x165: {  	v17 =	vmul.f32 v17, v10;
	v19 =	vmul.f32 v19, v10;
	v22 =	vld [tilespmem:s12+$0x1AE20]  }
0x166: {  	v10 =	vmul.f32 v25, v10;
	v25 =	vadd.f32 v11, v20;
	v26 =	vadd.f32 v12, v14;
	v11 =	vld [tilespmem:s12+$0x18E30]  }
0x167: {  	v9 =	vadd.f32 v18, v9;
	v5 =	vadd.f32 v17, v5;
	v12 =	vmul.f32 v23, v6;
	v14 =	vld [tilespmem:s12+$0x1AE30];
	s12 =	sshra.s32 s13, $0x2  }
0x168: {  	v4 =	vadd.f32 v19, v4;
	v17 =	vld [tilespmem:s12+$0xEE30];
	v8 =	vadd.f32 v10, v8;
	v6 =	vmul.f32 v24, v6  }
0x169: {  	v9 =	vadd.f32 v16, v9;
	v5 =	vadd.f32 v15, v5;
	v18 =	vld [tilespmem:s12+$0x10E30];
	v10 =	vmul.f32 v21, v2  }
0x16a: {  	v4 =	vadd.f32 v12, v4;
	v15 =	vld [tilespmem:s12+$0x12E30];
	v6 =	vadd.f32 v6, v8;
	v2 =	vmul.f32 v22, v2  }
0x16b: {  	v8 =	vadd.f32 v13, v9;
	v5 =	vadd.f32 v7, v5;
	v19 =	vld [tilespmem:s12+$0x14E30];
	v7 =	vmul.f32 v11, v0  }
0x16c: {  	v4 =	vadd.f32 v10, v4;
	v20 =	vld [tilespmem:s12+$0x16E30];
	v6 =	vadd.f32 v2, v6;
	v10 =	vmul.f32 v14, v0  }
0x16d: {  	v9 =	vadd.f32 v3, v8;
	v5 =	vadd.f32 v1, v5;
	v2 =	vld [tilespmem:s12+$0xEE20];
	v0 =	vmov v17  }
0x16e: {  	v4 =	vadd.f32 v7, v4;
	v22 =	vld [tilespmem:s12+$0x10E20];
	v8 =	vadd.f32 v10, v6  }
0x16f: {  	v14 =	vld [tilespmem:s12+$0x12E20]  }
0x170: {  	v13 =	vld [tilespmem:s12+$0x14E20]  }
0x171: {  	v7 =	vld [tilespmem:s12+$0x16E20]  }
0x172: {  	v6 =	vld [tilespmem:s12+$0xEE10]  }
0x173: {  	v10 =	vld [tilespmem:s12+$0xEE00]  }
0x174: {  	v17 =	vld [tilespmem:s12+$0x10E00]  }
0x175: {  	v21 =	vld [tilespmem:s12+$0x12E00]  }
0x176: {  	v23 =	vld [tilespmem:s12+$0x10E10]  }
0x177: {  	v24 =	vld [tilespmem:s12+$0x12E10]  }
.Ltmp3:
0x178: {  	v11 =	vmul.f32 v18, v0;
	v12 =	vmul.f32 v15, v0;
	v16 =	vld [tilespmem:s12+$0x14E10];
	(pc) =	sbr.rel @p0 .LBB2_8-.Ltmp3, $4  }
0x179: {  	v3 =	vmul.f32 v19, v0;
	v1 =	vmul.f32 v20, v0;
	v15 =	vld [tilespmem:s12+$0x16E10]  }
0x17a: {  	v19 =	vmul.f32 v17, v10;
	v27 =	vmul.f32 v21, v10;
	v18 =	vld [tilespmem:s12+$0x14E00]  }
0x17b: {  	v20 =	vmul.f32 v22, v2;
	v17 =	vld [tilespmem:s12+$0x16E00];
	v21 =	vmul.f32 v23, v6  }
0x17c: {  	s13 =	sadd.s32 $0x100, s13;
	v22 =	vadd.f32 v19, v25;
	v23 =	vadd.f32 v27, v26;
	v19 =	vld [tilespmem:s12+$0x18E00];
	v24 =	vmul.f32 v24, v6  }
0x17d: {  	_ = 	snop  }
0x17e: {  	v25 =	vld [tilespmem:s12+$0x1AE00];
	v14 =	vmul.f32 v14, v2;
	v13 =	vmul.f32 v13, v2  }
0x17f: {  	v48 =	vld [tilespmem:s12+$0x18E10];
	v16 =	vmul.f32 v16, v6;
	v18 =	vmul.f32 v18, v10  }
0x180: {  	v49 =	vld [tilespmem:s12+$0x1AE10];
	v7 =	vmul.f32 v7, v2;
	v23 =	vadd.f32 v24, v23;
	v21 =	vadd.f32 v21, v22  }
0x181: {  	v50 =	vld [tilespmem:s12+$0x18E20];
	v53 =	vmul.f32 v15, v6;
	v17 =	vmul.f32 v17, v10;
	v9 =	vadd.f32 v18, v9  }
0x182: {  	v14 =	vadd.f32 v14, v23;
	v20 =	vadd.f32 v20, v21;
	v51 =	vmul.f32 v19, v10  }
0x183: {  	v54 =	vld [tilespmem:s12+$0x1AE20];
	v52 =	vmul.f32 v25, v10;
	v5 =	vadd.f32 v17, v5;
	v9 =	vadd.f32 v16, v9  }
0x184: {  	v55 =	vld [tilespmem:s12+$0x18E30];
	v12 =	vadd.f32 v12, v14;
	v56 =	vmul.f32 v48, v6;
	v4 =	vadd.f32 v51, v4  }
0x185: {  	v58 =	vmul.f32 v49, v6;
	v5 =	vadd.f32 v53, v5;
	v9 =	vadd.f32 v13, v9  }
0x186: {  	v57 =	vld [tilespmem:s12+$0x1AE30];
	v59 =	vmul.f32 v50, v2;
	v8 =	vadd.f32 v52, v8;
	v4 =	vadd.f32 v56, v4  }
0x187: {  	v5 =	vadd.f32 v7, v5;
	v3 =	vadd.f32 v3, v9  }
0x188: {  	v60 =	vmul.f32 v54, v2;
	v6 =	vadd.f32 v58, v8;
	v4 =	vadd.f32 v59, v4  }
0x189: {  	v61 =	vmul.f32 v55, v0;
	v1 =	vadd.f32 v1, v5;
	v3 =	vadd.f32 v3, v12  }
0x18a: {  	v62 =	vadd.f32 v11, v20;
	v2 =	vadd.f32 v60, v6  }
0x18b: {  	v63 =	vmul.f32 v57, v0;
	v4 =	vadd.f32 v61, v4;
	v1 =	vadd.f32 v1, v3  }
0x18c: {  	[tilespmem:$0x1CE00] =	vst v62  }
0x18d: {  	[hbm4b:s9+s2] =	stream.linear.scatter [tilespmem:s24], [sflag:$0x3], $0x10, $0x38;
	v0 =	vadd.f32 v63, v2;
	v1 =	vadd.f32 v4, v1;
	[tilespmem:$0x1CE10] =	vst v63  }
0x18e: {  	_ =	swait.ge [sflag:s11], $0x10  }
0x18f: {  	s31 =	sadd.s32 $0x1, s31;
	[sflag:s11] =	ssyncset.done $0x0;
	v0 =	vadd.f32 v0, v1  }
0x190: {  	p0 =	sne.s32 s31, s10;
	[sflag:s11] =	ssyncadd.s32 $0xFFFFFFF0  }
.Ltmp4:
0x191: {  	[tilespmem:$0x1CE00] =	vst v0;
	(pc) =	sbr.rel @p0 .LBB2_1-.Ltmp4, $4  }
0x192: {  	[hbm4b:s8+s2] =	stream.linear.scatter [tilespmem:s24], [sflag:$0x3], $0x10, $0x38;
	[tilespmem:$0x1CE10] =	vst v63  }
0x193: {  	_ =	swait.ge [sflag:s11], $0x10  }
0x194: {  	[sflag:s11] =	ssyncset.done $0x0  }
0x195: {  	[sflag:s11] =	ssyncadd.s32 $0xFFFFFFF0  }
0x196: {  	_ =	sfence.sel $0x180000  }
0x197: {  	[bflag:$0x0] =	sbarrier.arrive $0xFFFF  }
0x198: {  	_ =	strace $0x90000047  }
0x199: {  	s0 =	stileid.u32;
	[bflag:$0x2] =	sbarrier.arrive $0xFFFF  }
0x19a: {  	p0 =	sne.s32 s0, $0x0;
	s0 =	rddreg [dreg:$0x4]  }
0x19b: {  	s0 =	sadd.s32 @!p0 $0x100000, s0  }
0x19c: {  	[sflag:s0] =	ssyncadd.tile.s32 @!p0 $0x1;
	_ =	shalt  }
.Lfunc_end2:
_tile_overlayer_lowered:
.L_overlay_start_2:
0x19d: {  	(tag) =	ssettag $0x2  }
0x19e: {  	s0 =	rddreg [dreg:$0x0];
	s2 =	stileid.u32  }
0x19f: {  	s1 =	rddreg [dreg:$0x1];
	p0 =	sne.s32 s2, $0x0  }
0x1a0: {  	s3 =	rddreg [dreg:$0x2];
	[bflag:$0x3] =	sbarrier.arrive $0xFFFF;
	s2 =	simm.s32 @!p0 $0x1C03  }
0x1a1: {  	[timem:s3], [sflag:s2] =	dma.local @!p0 [hbm:s0], s1  }
0x1a2: {  	s0 =	simm.s32 @!p0 $0x3  }
0x1a3: {  	_ =	swait.ge @!p0 [sflag:s0], s1  }
0x1a4: {  	s1 =	ssub.s32 @!p0 $0x0, s1;
	[sflag:s0] =	ssyncset.done @!p0 $0x0  }
0x1a5: {  	[sflag:s0] =	ssyncadd.s32 @!p0 s1  }
0x1a6: {  	[bflag:$0x3] =	sbarrier.arrive $0xFFFF  }
0x1a7: {  	_ =	shalt  }

</sc_bundles>
